<compile_context>
chip_gen: v7x
topology: tpu7x:2x2x1
jax: 0.10.2.dev20260603
libtpu: 0.0.44.dev20260713+nightly
codegen_flags: <defaults>
</compile_context>

<pallas_src>
import jax
import jax.numpy as jnp
from jax import lax
from jax.experimental import pallas as pl
from jax.experimental.pallas import tpu as pltpu
from jax.experimental.pallas import tpu_sc as plsc

N = 10000
E = 320000
F = 16
IN_CH = 128
OUT_CH = 128
NC = 2
NS = 16
NW = NC * NS
CHUNK = 128
NCHUNK = 80
EPT = CHUNK * NCHUNK
EPAD = EPT * NW
NPAD = 10112
RPT = NPAD // NS
RB = 400

_sc_mesh = plsc.VectorSubcoreMesh(core_axis_name="c", subcore_axis_name="s")


def _fill(buf, rows, value):
    vv = jnp.full((F,), value, jnp.float32)

    def body(i, _):
        buf[i, :] = vv
        return 0

    lax.fori_loop(0, rows, body, 0)


def _identity_idx(idxbuf, base):
    lanes = lax.iota(jnp.int32, F)

    def body(i, _):
        idxbuf[pl.ds(i * F, F)] = base + i * F + lanes
        return 0

    lax.fori_loop(0, RPT // F, body, 0)
    idxbuf[pl.ds(RPT - F, F)] = base + (RPT - F) + lanes


def _zero_acc(zbuf, acc, idxbuf):
    _fill(zbuf, RPT, 0.0)
    pltpu.sync_copy(zbuf, acc.at[idxbuf])


def _copy_out(acc, out_hbm, cid, sid, bounce, idxbuf):
    pltpu.sync_copy(acc.at[idxbuf], bounce)
    pltpu.sync_copy(bounce, out_hbm.at[cid, pl.ds(sid * RPT, RPT)])


def _deg_body(dst_hbm, out_hbm, didx, ones, zbuf, idxbuf, acc):
    cid = lax.axis_index("c")
    sid = lax.axis_index("s")
    wid = sid * NC + cid
    base = wid * EPT

    _fill(ones, CHUNK, 1.0)
    _identity_idx(idxbuf, sid * RPT)
    _zero_acc(zbuf, acc, idxbuf)
    pltpu.sync_copy(dst_hbm.at[pl.ds(base, EPT)], didx)
    plsc.subcore_barrier()

    def edge(j, _):
        pltpu.sync_copy(ones, acc.at[didx.at[pl.ds(j * CHUNK, CHUNK)]],
                        add=True)
        return 0

    lax.fori_loop(0, NCHUNK, edge, 0)
    plsc.subcore_barrier()
    _copy_out(acc, out_hbm, cid, sid, zbuf, idxbuf)


def _edge_body(src_hbm, dst_hbm, t_hbm, out_hbm, sidx, didx, rows0, rows1,
               zbuf, idxbuf, sem, acc):
    cid = lax.axis_index("c")
    sid = lax.axis_index("s")
    wid = sid * NC + cid
    base = wid * EPT

    _identity_idx(idxbuf, sid * RPT)
    _zero_acc(zbuf, acc, idxbuf)
    pltpu.sync_copy(src_hbm.at[pl.ds(base, EPT)], sidx)
    pltpu.sync_copy(dst_hbm.at[pl.ds(base, EPT)], didx)
    plsc.subcore_barrier()

    def gather(c, buf):
        pltpu.async_copy(t_hbm.at[sidx.at[pl.ds(c * CHUNK, CHUNK)]], buf, sem)

    def drain(buf):
        pltpu.make_async_copy(t_hbm.at[pl.ds(0, CHUNK)], buf, sem).wait()

    def scatter(c, buf):
        pltpu.sync_copy(buf, acc.at[didx.at[pl.ds(c * CHUNK, CHUNK)]],
                        add=True)

    gather(0, rows0)

    def edge(j2, _):
        c0 = 2 * j2
        drain(rows0)
        gather(c0 + 1, rows1)
        scatter(c0, rows0)
        drain(rows1)
        gather((c0 + 2) % NCHUNK, rows0)
        scatter(c0 + 1, rows1)
        return 0

    lax.fori_loop(0, NCHUNK // 2, edge, 0)
    drain(rows0)
    plsc.subcore_barrier()
    _copy_out(acc, out_hbm, cid, sid, zbuf, idxbuf)


def _deg_pass(dstp):
    f = pl.kernel(
        _deg_body,
        out_type=jax.ShapeDtypeStruct((NC, NPAD, F), jnp.float32),
        mesh=_sc_mesh,
        scratch_types=[
            pltpu.VMEM((EPT,), jnp.int32),
            pltpu.VMEM((CHUNK, F), jnp.float32),
            pltpu.VMEM((RPT, F), jnp.float32),
            pltpu.VMEM((RPT,), jnp.int32),
            pltpu.VMEM_SHARED((NPAD, F), jnp.float32),
        ],
        compiler_params=pltpu.CompilerParams(use_tc_tiling_on_sc=False),
    )
    return f(dstp)


def _edge_pass(srcp, dstp, t_pad):
    f = pl.kernel(
        _edge_body,
        out_type=jax.ShapeDtypeStruct((NC, NPAD, F), jnp.float32),
        mesh=_sc_mesh,
        scratch_types=[
            pltpu.VMEM((EPT,), jnp.int32),
            pltpu.VMEM((EPT,), jnp.int32),
            pltpu.VMEM((CHUNK, F), jnp.float32),
            pltpu.VMEM((CHUNK, F), jnp.float32),
            pltpu.VMEM((RPT, F), jnp.float32),
            pltpu.VMEM((RPT,), jnp.int32),
            pltpu.SemaphoreType.DMA,
            pltpu.VMEM_SHARED((NPAD, F), jnp.float32),
        ],
        compiler_params=pltpu.CompilerParams(use_tc_tiling_on_sc=False),
    )
    return f(srcp, dstp, t_pad)


def _tc1_body(x_ref, w_ref, da_ref, db_ref, t1_ref, dis_ref):
    deg = da_ref[...] + db_ref[...] + 1.0
    dis = lax.rsqrt(deg)
    h = jnp.dot(x_ref[...], w_ref[...], preferred_element_type=jnp.float32)
    dis_ref[...] = dis
    t1_ref[...] = dis * h


def _tc1(x, W1, dega, degb):
    return pl.pallas_call(
        _tc1_body,
        grid=(N // RB,),
        in_specs=[
            pl.BlockSpec((RB, IN_CH), lambda i: (i, 0)),
            pl.BlockSpec((IN_CH, F), lambda i: (0, 0)),
            pl.BlockSpec((RB, F), lambda i: (i, 0)),
            pl.BlockSpec((RB, F), lambda i: (i, 0)),
        ],
        out_specs=[
            pl.BlockSpec((RB, F), lambda i: (i, 0)),
            pl.BlockSpec((RB, F), lambda i: (i, 0)),
        ],
        out_shape=[
            jax.ShapeDtypeStruct((N, F), jnp.float32),
            jax.ShapeDtypeStruct((N, F), jnp.float32),
        ],
    )(x, W1, dega, degb)


def _tc2_body(s0_ref, s1_ref, t1_ref, dis_ref, b1_ref, t2_ref):
    agg = dis_ref[...] * (s0_ref[...] + s1_ref[...] + t1_ref[...]) + b1_ref[...]
    t2_ref[...] = dis_ref[...] * jnp.maximum(agg, 0.0)


def _tc2(s0, s1, t1, dis, b1):
    spec = pl.BlockSpec((RB, F), lambda i: (i, 0))
    return pl.pallas_call(
        _tc2_body,
        grid=(N // RB,),
        in_specs=[spec, spec, spec, spec,
                  pl.BlockSpec((1, F), lambda i: (0, 0))],
        out_specs=spec,
        out_shape=jax.ShapeDtypeStruct((N, F), jnp.float32),
    )(s0, s1, t1, dis, b1)


def _tc3_body(s0_ref, s1_ref, t2_ref, dis_ref, w_ref, b_ref, out_ref):
    agg = dis_ref[...] * (s0_ref[...] + s1_ref[...] + t2_ref[...])
    out_ref[...] = (
        jnp.dot(agg, w_ref[...], preferred_element_type=jnp.float32)
        + b_ref[...]
    )


def _tc3(s0, s1, t2, dis, W2, b2):
    spec = pl.BlockSpec((RB, F), lambda i: (i, 0))
    return pl.pallas_call(
        _tc3_body,
        grid=(N // RB,),
        in_specs=[spec, spec, spec, spec,
                  pl.BlockSpec((F, OUT_CH), lambda i: (0, 0)),
                  pl.BlockSpec((1, OUT_CH), lambda i: (0, 0))],
        out_specs=pl.BlockSpec((RB, OUT_CH), lambda i: (i, 0)),
        out_shape=jax.ShapeDtypeStruct((N, OUT_CH), jnp.float32),
    )(s0, s1, t2, dis, W2, b2)


def kernel(x, edge_index, W1, b1, W2, b2):
    ei = edge_index.astype(jnp.int32)
    pad = N + jnp.arange(EPAD - E, dtype=jnp.int32) % (NPAD - N)
    srcp = jnp.concatenate([ei[0], pad])
    dstp = jnp.concatenate([ei[1], pad])

    deg2 = _deg_pass(dstp)
    t1, dis = _tc1(x, W1, deg2[0, :N], deg2[1, :N])

    s1p = _edge_pass(srcp, dstp, jnp.pad(t1, ((0, NPAD - N), (0, 0))))
    t2 = _tc2(s1p[0, :N], s1p[1, :N], t1, dis, b1.reshape(1, F))

    s2p = _edge_pass(srcp, dstp, jnp.pad(t2, ((0, NPAD - N), (0, 0))))
    return _tc3(s2p[0, :N], s2p[1, :N], t2, dis, W2, b2.reshape(1, OUT_CH))

# --- scband reference (transcript-rebuilt; emitter-appended) ---
"""Pipeline reference for scband-gcn-45389214384511 (READ-ONLY COPY).

The authoritative reference and input builder live on the scoring server;
editing this copy changes nothing except your own understanding.
"""

import jax, jax.numpy as jnp
import numpy as np

N_NODES = 10000
N_EDGES = 320000
IN_CH = 128
HID = 16
OUT_CH = 128


def setup_inputs(seed: int = 0) -> dict:
    key = jax.random.key(seed)
    k1, k2, k3, k4, k5, k6 = jax.random.split(key, 6)
    x = jax.random.normal(k1, (N_NODES, IN_CH), dtype=jnp.float32)
    edge_index = jax.random.randint(k2, (2, N_EDGES), 0, N_NODES, dtype=jnp.int64)
    W1 = jax.random.normal(k3, (IN_CH, HID), dtype=jnp.float32) * (1.0 / np.sqrt(IN_CH))
    b1 = jnp.zeros((HID,), dtype=jnp.float32)
    W2 = jax.random.normal(k4, (HID, OUT_CH), dtype=jnp.float32) * (1.0 / np.sqrt(HID))
    b2 = jnp.zeros((OUT_CH,), dtype=jnp.float32)
    return {"x": x, "edge_index": edge_index, "W1": W1, "b1": b1, "W2": W2, "b2": b2}


def gcn_conv(x, src, dst, W, b, num_nodes):
    # x already has self-loops appended in src/dst
    h = x @ W
    deg = jnp.zeros((num_nodes,), dtype=h.dtype).at[dst].add(1.0)
    deg_inv_sqrt = jnp.where(deg > 0, deg ** -0.5, 0.0)
    norm = deg_inv_sqrt[src] * deg_inv_sqrt[dst]
    msgs = h[src] * norm[:, None]
    out = jnp.zeros((num_nodes, h.shape[1]), dtype=h.dtype).at[dst].add(msgs)
    return out + b


def reference(x, edge_index, W1, b1, W2, b2):
    num_nodes = x.shape[0]
    self_loops = jnp.arange(num_nodes, dtype=edge_index.dtype)
    src = jnp.concatenate([edge_index[0], self_loops])
    dst = jnp.concatenate([edge_index[1], self_loops])
    h = gcn_conv(x, src, dst, W1, b1, num_nodes)
    h = jax.nn.relu(h)
    out = gcn_conv(h, src, dst, W2, b2, num_nodes)
    return out

if __name__ == "__main__":
    import jax
    _d = setup_inputs()
    print(jax.jit(kernel)(*tuple(_d.values())))

</pallas_src>

<mosaic_0001>
#map = affine_map<(d0, d1) -> (0)>
#map1 = affine_map<(d0, d1) -> (0, 0, 0)>
module attributes {stable_mosaic.version = 14 : i64} {
  func.func @_deg_body(%arg0: i32, %arg1: i32, %arg2: memref<327680xi32, #tpu.memory_space<hbm>>, %arg3: memref<2x10112x16xf32, #tpu.memory_space<hbm>>, %arg4: memref<10240xi32, #tpu.memory_space<vmem>>, %arg5: memref<128x16xf32, #tpu.memory_space<vmem>>, %arg6: memref<632x16xf32, #tpu.memory_space<vmem>>, %arg7: memref<632xi32, #tpu.memory_space<vmem>>, %arg8: memref<10112x16xf32, #tpu.memory_space<vmem_shared>>) attributes {dimension_semantics = [#tpu.dimension_semantics<core_parallel>, #tpu.dimension_semantics<subcore_parallel>], iteration_bounds = array<i64: 2, 16>, scalar_prefetch = 0 : i64, scratch_operands = 5 : i64, tpu.core_type = #tpu.core_type<sc_vector_subcore>, window_params = [{transform_indices = #map}, {transform_indices = #map1}]} {
    %mul3A = arith.constant 2 : i32
    %mul3A_0 = arith.muli %arg1, %mul3A : i32
    %add3A = arith.addi %mul3A_0, %arg0 : i32
    %mul3A_1 = arith.constant 10240 : i32
    %mul3A_2 = arith.muli %add3A, %mul3A_1 : i32
    %broadcast_in_dim3A = arith.constant 1.000000e+00 : f32
    %broadcast_in_dim3A_3 = vector.broadcast %broadcast_in_dim3A : f32 to vector<16xf32>
    %scan3A = arith.constant 0 : i32
    %scan3A_4 = arith.constant 0 : i32
    %scan3A_5 = arith.constant 128 : i32
    %scan3A_6 = arith.addi %scan3A_4, %scan3A_5 : i32
    %scan3A_7 = arith.constant 1 : i32
    %scan3A_8 = scf.for %scan3A_45 = %scan3A_4 to %scan3A_6 step %scan3A_7 iter_args(%scan3A_46 = %scan3A) -> (i32)  : i32 {
      %swap3A_47 = arith.index_cast %scan3A_45 : i32 to index
      %swap3A_48 = arith.constant 0 : index
      %swap3A_49 = tpu.vector_load %arg5[%swap3A_47, %swap3A_48] {strides = array<i32>} : memref<128x16xf32, #tpu.memory_space<vmem>>, vector<1x16xf32>,
      %swap3A_50 = vector.shape_cast %swap3A_49 : vector<1x16xf32> to vector<16xf32>
      %swap3A_51 = vector.shape_cast %broadcast_in_dim3A_3 : vector<16xf32> to vector<1x16xf32>
      tpu.vector_store %arg5[%swap3A_47, %swap3A_48], %swap3A_51 {strides = array<i32>} : memref<128x16xf32, #tpu.memory_space<vmem>>, vector<1x16xf32>,
      %scan3A_52 = arith.constant 0 : i32
      scf.yield %scan3A_52 : i32
    }
    %scan3A_9 = arith.constant 128 : i32
    %mul3A_10 = arith.constant 632 : i32
    %mul3A_11 = arith.muli %arg1, %mul3A_10 : i32
    %iota3A = tpu.iota {dimensions = array<i32: 0>} : vector<16xi32>
    %scan3A_12 = arith.constant 0 : i32
    %scan3A_13 = arith.constant 0 : i32
    %scan3A_14 = arith.constant 39 : i32
    %scan3A_15 = arith.addi %scan3A_13, %scan3A_14 : i32
    %scan3A_16 = arith.constant 1 : i32
    %scan3A_17 = scf.for %scan3A_45 = %scan3A_13 to %scan3A_15 step %scan3A_16 iter_args(%scan3A_46 = %scan3A_12) -> (i32)  : i32 {
      %mul3A_47 = arith.constant 16 : i32
      %mul3A_48 = arith.muli %scan3A_45, %mul3A_47 : i32
      %add3A_49 = arith.addi %mul3A_11, %mul3A_48 : i32
      %add3A_50 = vector.broadcast %add3A_49 : i32 to vector<16xi32>
      %add3A_51 = arith.addi %add3A_50, %iota3A : vector<16xi32>
      %mul3A_52 = arith.constant 16 : i32
      %mul3A_53 = arith.muli %scan3A_45, %mul3A_52 : i32
      %swap3A_54 = arith.index_cast %mul3A_53 : i32 to index
      %swap3A_55 = tpu.vector_load %arg7[%swap3A_54] {strides = array<i32>} : memref<632xi32, #tpu.memory_space<vmem>>, vector<16xi32>,
      %swap3A_56 = vector.shape_cast %swap3A_55 : vector<16xi32> to vector<16xi32>
      %swap3A_57 = vector.shape_cast %add3A_51 : vector<16xi32> to vector<16xi32>
      tpu.vector_store %arg7[%swap3A_54], %swap3A_57 {strides = array<i32>} : memref<632xi32, #tpu.memory_space<vmem>>, vector<16xi32>,
      %scan3A_58 = arith.constant 0 : i32
      scf.yield %scan3A_58 : i32
    }
    %scan3A_18 = arith.constant 39 : i32
    %add3A_19 = arith.constant 616 : i32
    %add3A_20 = arith.addi %mul3A_11, %add3A_19 : i32
    %add3A_21 = vector.broadcast %add3A_20 : i32 to vector<16xi32>
    %add3A_22 = arith.addi %add3A_21, %iota3A : vector<16xi32>
    %swap3A = arith.constant 616 : index
    %swap3A_23 = tpu.vector_load %arg7[%swap3A] {strides = array<i32>} : memref<632xi32, #tpu.memory_space<vmem>>, vector<16xi32>,
    %swap3A_24 = vector.shape_cast %swap3A_23 : vector<16xi32> to vector<16xi32>
    %swap3A_25 = vector.shape_cast %add3A_22 : vector<16xi32> to vector<16xi32>
    tpu.vector_store %arg7[%swap3A], %swap3A_25 {strides = array<i32>} : memref<632xi32, #tpu.memory_space<vmem>>, vector<16xi32>,
    %broadcast_in_dim3A_26 = arith.constant 0.000000e+00 : f32
    %broadcast_in_dim3A_27 = vector.broadcast %broadcast_in_dim3A_26 : f32 to vector<16xf32>
    %scan3A_28 = arith.constant 0 : i32
    %scan3A_29 = arith.constant 0 : i32
    %scan3A_30 = arith.constant 632 : i32
    %scan3A_31 = arith.addi %scan3A_29, %scan3A_30 : i32
    %scan3A_32 = arith.constant 1 : i32
    %scan3A_33 = scf.for %scan3A_45 = %scan3A_29 to %scan3A_31 step %scan3A_32 iter_args(%scan3A_46 = %scan3A_28) -> (i32)  : i32 {
      %swap3A_47 = arith.index_cast %scan3A_45 : i32 to index
      %swap3A_48 = arith.constant 0 : index
      %swap3A_49 = tpu.vector_load %arg6[%swap3A_47, %swap3A_48] {strides = array<i32>} : memref<632x16xf32, #tpu.memory_space<vmem>>, vector<1x16xf32>,
      %swap3A_50 = vector.shape_cast %swap3A_49 : vector<1x16xf32> to vector<16xf32>
      %swap3A_51 = vector.shape_cast %broadcast_in_dim3A_27 : vector<16xf32> to vector<1x16xf32>
      tpu.vector_store %arg6[%swap3A_47, %swap3A_48], %swap3A_51 {strides = array<i32>} : memref<632x16xf32, #tpu.memory_space<vmem>>, vector<1x16xf32>,
      %scan3A_52 = arith.constant 0 : i32
      scf.yield %scan3A_52 : i32
    }
    %scan3A_34 = arith.constant 632 : i32
    "tpu.region"() ({
      %run_scoped3A = tpu.sem_alloc : memref<!tpu.dma_semaphore, #tpu.memory_space<semaphore_mem>>
      %dma_start3A = arith.constant 0 : i32
      %dma_start3A_45 = arith.constant 0 : i32
      %dma_start3A_46 = tpu.memref_slice %arg8[%dma_start3A, %dma_start3A_45] : memref<10112x16xf32, #tpu.memory_space<vmem_shared>> -> memref<10112x16xf32, #tpu.memory_space<vmem_shared>>
      tpu.enqueue_indirect_dma source(%arg6 : memref<632x16xf32, #tpu.memory_space<vmem>>) target(%dma_start3A_46 : memref<10112x16xf32, #tpu.memory_space<vmem_shared>>) offsets(%arg7 : memref<632xi32, #tpu.memory_space<vmem>>) semaphore(%run_scoped3A : memref<!tpu.dma_semaphore, #tpu.memory_space<semaphore_mem>>)
      %dma_wait3A = arith.constant 0 : i32
      %dma_wait3A_47 = arith.constant 0 : i32
      %dma_wait3A_48 = tpu.memref_slice %arg8[%dma_wait3A, %dma_wait3A_47] : memref<10112x16xf32, #tpu.memory_space<vmem_shared>> -> memref<10112x16xf32, #tpu.memory_space<vmem_shared>>
      tpu.wait_indirect_dma semaphore(%run_scoped3A : memref<!tpu.dma_semaphore, #tpu.memory_space<semaphore_mem>>) src(%arg6 : memref<632x16xf32, #tpu.memory_space<vmem>>) dst(%dma_wait3A_48 : memref<10112x16xf32, #tpu.memory_space<vmem_shared>>)
      tpu.yield
    }) : () -> ()
    "tpu.region"() ({
      %run_scoped3A = tpu.sem_alloc : memref<!tpu.dma_semaphore, #tpu.memory_space<semaphore_mem>>
      %dma_start3A = tpu.memref_slice %arg2[%mul3A_2] : memref<327680xi32, #tpu.memory_space<hbm>> -> memref<10240xi32, #tpu.memory_space<hbm>>
      %dma_start3A_45 = tpu.memref_slice %arg2[%mul3A_2] : memref<327680xi32, #tpu.memory_space<hbm>> -> memref<10240xi32, #tpu.memory_space<hbm>>
      tpu.enqueue_dma source(%dma_start3A_45 : memref<10240xi32, #tpu.memory_space<hbm>>) target(%arg4 : memref<10240xi32, #tpu.memory_space<vmem>>) target_semaphore(%run_scoped3A : memref<!tpu.dma_semaphore, #tpu.memory_space<semaphore_mem>>)
      %dma_wait3A = tpu.memref_slice %arg2[%mul3A_2] : memref<327680xi32, #tpu.memory_space<hbm>> -> memref<10240xi32, #tpu.memory_space<hbm>>
      %dma_wait3A_46 = tpu.memref_slice %arg2[%mul3A_2] : memref<327680xi32, #tpu.memory_space<hbm>> -> memref<10240xi32, #tpu.memory_space<hbm>>
      tpu.wait_dma2 semaphore(%run_scoped3A : memref<!tpu.dma_semaphore, #tpu.memory_space<semaphore_mem>>) src(%dma_wait3A_46 : memref<10240xi32, #tpu.memory_space<hbm>>) dst(%arg4 : memref<10240xi32, #tpu.memory_space<vmem>>)
      tpu.yield
    }) : () -> ()
    %barrier3A = arith.constant 0 : index
    tpu.barrier barrier_id(%barrier3A)
    %scan3A_35 = arith.constant 0 : i32
    %scan3A_36 = arith.constant 0 : i32
    %scan3A_37 = arith.constant 80 : i32
    %scan3A_38 = arith.addi %scan3A_36, %scan3A_37 : i32
    %scan3A_39 = arith.constant 1 : i32
    %scan3A_40 = scf.for %scan3A_45 = %scan3A_36 to %scan3A_38 step %scan3A_39 iter_args(%scan3A_46 = %scan3A_35) -> (i32)  : i32 {
      %mul3A_47 = arith.constant 128 : i32
      %mul3A_48 = arith.muli %scan3A_45, %mul3A_47 : i32
      "tpu.region"() ({
        %run_scoped3A = tpu.sem_alloc : memref<!tpu.dma_semaphore, #tpu.memory_space<semaphore_mem>>
        %dma_start3A = tpu.memref_slice %arg4[%mul3A_48] : memref<10240xi32, #tpu.memory_space<vmem>> -> memref<128xi32, #tpu.memory_space<vmem>>
        %dma_start3A_50 = arith.constant 0 : i32
        %dma_start3A_51 = arith.constant 0 : i32
        %dma_start3A_52 = tpu.memref_slice %arg8[%dma_start3A_50, %dma_start3A_51] : memref<10112x16xf32, #tpu.memory_space<vmem_shared>> -> memref<10112x16xf32, #tpu.memory_space<vmem_shared>>
        tpu.enqueue_indirect_dma source(%arg5 : memref<128x16xf32, #tpu.memory_space<vmem>>) target(%dma_start3A_52 : memref<10112x16xf32, #tpu.memory_space<vmem_shared>>) offsets(%dma_start3A : memref<128xi32, #tpu.memory_space<vmem>>) semaphore(%run_scoped3A : memref<!tpu.dma_semaphore, #tpu.memory_space<semaphore_mem>>) {add = true}
        %dma_wait3A = tpu.memref_slice %arg4[%mul3A_48] : memref<10240xi32, #tpu.memory_space<vmem>> -> memref<128xi32, #tpu.memory_space<vmem>>
        %dma_wait3A_53 = arith.constant 0 : i32
        %dma_wait3A_54 = arith.constant 0 : i32
        %dma_wait3A_55 = tpu.memref_slice %arg8[%dma_wait3A_53, %dma_wait3A_54] : memref<10112x16xf32, #tpu.memory_space<vmem_shared>> -> memref<10112x16xf32, #tpu.memory_space<vmem_shared>>
        tpu.wait_indirect_dma semaphore(%run_scoped3A : memref<!tpu.dma_semaphore, #tpu.memory_space<semaphore_mem>>) src(%arg5 : memref<128x16xf32, #tpu.memory_space<vmem>>) dst(%dma_wait3A_55 : memref<10112x16xf32, #tpu.memory_space<vmem_shared>>)
        tpu.yield
      }) : () -> ()
      %scan3A_49 = arith.constant 0 : i32
      scf.yield %scan3A_49 : i32
    }
    %scan3A_41 = arith.constant 80 : i32
    %barrier3A_42 = arith.constant 0 : index
    tpu.barrier barrier_id(%barrier3A_42)
    "tpu.region"() ({
      %run_scoped3A = tpu.sem_alloc : memref<!tpu.dma_semaphore, #tpu.memory_space<semaphore_mem>>
      %dma_start3A = arith.constant 0 : i32
      %dma_start3A_45 = arith.constant 0 : i32
      %dma_start3A_46 = tpu.memref_slice %arg8[%dma_start3A, %dma_start3A_45] : memref<10112x16xf32, #tpu.memory_space<vmem_shared>> -> memref<10112x16xf32, #tpu.memory_space<vmem_shared>>
      tpu.enqueue_indirect_dma source(%dma_start3A_46 : memref<10112x16xf32, #tpu.memory_space<vmem_shared>>) target(%arg6 : memref<632x16xf32, #tpu.memory_space<vmem>>) offsets(%arg7 : memref<632xi32, #tpu.memory_space<vmem>>) semaphore(%run_scoped3A : memref<!tpu.dma_semaphore, #tpu.memory_space<semaphore_mem>>)
      %dma_wait3A = arith.constant 0 : i32
      %dma_wait3A_47 = arith.constant 0 : i32
      %dma_wait3A_48 = tpu.memref_slice %arg8[%dma_wait3A, %dma_wait3A_47] : memref<10112x16xf32, #tpu.memory_space<vmem_shared>> -> memref<10112x16xf32, #tpu.memory_space<vmem_shared>>
      tpu.wait_indirect_dma semaphore(%run_scoped3A : memref<!tpu.dma_semaphore, #tpu.memory_space<semaphore_mem>>) src(%dma_wait3A_48 : memref<10112x16xf32, #tpu.memory_space<vmem_shared>>) dst(%arg6 : memref<632x16xf32, #tpu.memory_space<vmem>>)
      tpu.yield
    }) : () -> ()
    %mul3A_43 = arith.constant 632 : i32
    %mul3A_44 = arith.muli %arg1, %mul3A_43 : i32
    "tpu.region"() ({
      %run_scoped3A = tpu.sem_alloc : memref<!tpu.dma_semaphore, #tpu.memory_space<semaphore_mem>>
      %dma_start3A = arith.constant 0 : i32
      %dma_start3A_45 = tpu.memref_slice %arg3[%arg0, %mul3A_44, %dma_start3A] : memref<2x10112x16xf32, #tpu.memory_space<hbm>> -> memref<1x632x16xf32, #tpu.memory_space<hbm>>
      %dma_start3A_46 = tpu.memref_squeeze %dma_start3A_45 : memref<1x632x16xf32, #tpu.memory_space<hbm>> -> memref<632x16xf32, #tpu.memory_space<hbm>>
      %dma_start3A_47 = arith.constant 0 : i32
      %dma_start3A_48 = tpu.memref_slice %arg3[%arg0, %mul3A_44, %dma_start3A_47] : memref<2x10112x16xf32, #tpu.memory_space<hbm>> -> memref<1x632x16xf32, #tpu.memory_space<hbm>>
      %dma_start3A_49 = tpu.memref_squeeze %dma_start3A_48 : memref<1x632x16xf32, #tpu.memory_space<hbm>> -> memref<632x16xf32, #tpu.memory_space<hbm>>
      tpu.enqueue_dma source(%arg6 : memref<632x16xf32, #tpu.memory_space<vmem>>) target(%dma_start3A_49 : memref<632x16xf32, #tpu.memory_space<hbm>>) target_semaphore(%run_scoped3A : memref<!tpu.dma_semaphore, #tpu.memory_space<semaphore_mem>>)
      %dma_wait3A = arith.constant 0 : i32
      %dma_wait3A_50 = tpu.memref_slice %arg3[%arg0, %mul3A_44, %dma_wait3A] : memref<2x10112x16xf32, #tpu.memory_space<hbm>> -> memref<1x632x16xf32, #tpu.memory_space<hbm>>
      %dma_wait3A_51 = tpu.memref_squeeze %dma_wait3A_50 : memref<1x632x16xf32, #tpu.memory_space<hbm>> -> memref<632x16xf32, #tpu.memory_space<hbm>>
      %dma_wait3A_52 = arith.constant 0 : i32
      %dma_wait3A_53 = tpu.memref_slice %arg3[%arg0, %mul3A_44, %dma_wait3A_52] : memref<2x10112x16xf32, #tpu.memory_space<hbm>> -> memref<1x632x16xf32, #tpu.memory_space<hbm>>
      %dma_wait3A_54 = tpu.memref_squeeze %dma_wait3A_53 : memref<1x632x16xf32, #tpu.memory_space<hbm>> -> memref<632x16xf32, #tpu.memory_space<hbm>>
      tpu.wait_dma2 semaphore(%run_scoped3A : memref<!tpu.dma_semaphore, #tpu.memory_space<semaphore_mem>>) src(%arg6 : memref<632x16xf32, #tpu.memory_space<vmem>>) dst(%dma_wait3A_54 : memref<632x16xf32, #tpu.memory_space<hbm>>)
      tpu.yield
    }) : () -> ()
    return
  }
}

#map = affine_map<(d0, d1) -> (0)>
#map1 = affine_map<(d0, d1) -> (0, 0)>
#map2 = affine_map<(d0, d1) -> (0, 0, 0)>
module attributes {stable_mosaic.version = 14 : i64} {
  func.func @_edge_body(%arg0: i32, %arg1: i32, %arg2: memref<327680xi32, #tpu.memory_space<hbm>>, %arg3: memref<327680xi32, #tpu.memory_space<hbm>>, %arg4: memref<10112x16xf32, #tpu.memory_space<hbm>>, %arg5: memref<2x10112x16xf32, #tpu.memory_space<hbm>>, %arg6: memref<10240xi32, #tpu.memory_space<vmem>>, %arg7: memref<10240xi32, #tpu.memory_space<vmem>>, %arg8: memref<128x16xf32, #tpu.memory_space<vmem>>, %arg9: memref<128x16xf32, #tpu.memory_space<vmem>>, %arg10: memref<632x16xf32, #tpu.memory_space<vmem>>, %arg11: memref<632xi32, #tpu.memory_space<vmem>>, %arg12: memref<!tpu.dma_semaphore, #tpu.memory_space<semaphore_mem>>, %arg13: memref<10112x16xf32, #tpu.memory_space<vmem_shared>>) attributes {dimension_semantics = [#tpu.dimension_semantics<core_parallel>, #tpu.dimension_semantics<subcore_parallel>], iteration_bounds = array<i64: 2, 16>, scalar_prefetch = 0 : i64, scratch_operands = 8 : i64, tpu.core_type = #tpu.core_type<sc_vector_subcore>, window_params = [{transform_indices = #map}, {transform_indices = #map}, {transform_indices = #map1}, {transform_indices = #map2}]} {
    %mul3A = arith.constant 2 : i32
    %mul3A_0 = arith.muli %arg1, %mul3A : i32
    %add3A = arith.addi %mul3A_0, %arg0 : i32
    %mul3A_1 = arith.constant 10240 : i32
    %mul3A_2 = arith.muli %add3A, %mul3A_1 : i32
    %mul3A_3 = arith.constant 632 : i32
    %mul3A_4 = arith.muli %arg1, %mul3A_3 : i32
    %iota3A = tpu.iota {dimensions = array<i32: 0>} : vector<16xi32>
    %scan3A = arith.constant 0 : i32
    %scan3A_5 = arith.constant 0 : i32
    %scan3A_6 = arith.constant 39 : i32
    %scan3A_7 = arith.addi %scan3A_5, %scan3A_6 : i32
    %scan3A_8 = arith.constant 1 : i32
    %scan3A_9 = scf.for %scan3A_45 = %scan3A_5 to %scan3A_7 step %scan3A_8 iter_args(%scan3A_46 = %scan3A) -> (i32)  : i32 {
      %mul3A_47 = arith.constant 16 : i32
      %mul3A_48 = arith.muli %scan3A_45, %mul3A_47 : i32
      %add3A_49 = arith.addi %mul3A_4, %mul3A_48 : i32
      %add3A_50 = vector.broadcast %add3A_49 : i32 to vector<16xi32>
      %add3A_51 = arith.addi %add3A_50, %iota3A : vector<16xi32>
      %mul3A_52 = arith.constant 16 : i32
      %mul3A_53 = arith.muli %scan3A_45, %mul3A_52 : i32
      %swap3A_54 = arith.index_cast %mul3A_53 : i32 to index
      %swap3A_55 = tpu.vector_load %arg11[%swap3A_54] {strides = array<i32>} : memref<632xi32, #tpu.memory_space<vmem>>, vector<16xi32>,
      %swap3A_56 = vector.shape_cast %swap3A_55 : vector<16xi32> to vector<16xi32>
      %swap3A_57 = vector.shape_cast %add3A_51 : vector<16xi32> to vector<16xi32>
      tpu.vector_store %arg11[%swap3A_54], %swap3A_57 {strides = array<i32>} : memref<632xi32, #tpu.memory_space<vmem>>, vector<16xi32>,
      %scan3A_58 = arith.constant 0 : i32
      scf.yield %scan3A_58 : i32
    }
    %scan3A_10 = arith.constant 39 : i32
    %add3A_11 = arith.constant 616 : i32
    %add3A_12 = arith.addi %mul3A_4, %add3A_11 : i32
    %add3A_13 = vector.broadcast %add3A_12 : i32 to vector<16xi32>
    %add3A_14 = arith.addi %add3A_13, %iota3A : vector<16xi32>
    %swap3A = arith.constant 616 : index
    %swap3A_15 = tpu.vector_load %arg11[%swap3A] {strides = array<i32>} : memref<632xi32, #tpu.memory_space<vmem>>, vector<16xi32>,
    %swap3A_16 = vector.shape_cast %swap3A_15 : vector<16xi32> to vector<16xi32>
    %swap3A_17 = vector.shape_cast %add3A_14 : vector<16xi32> to vector<16xi32>
    tpu.vector_store %arg11[%swap3A], %swap3A_17 {strides = array<i32>} : memref<632xi32, #tpu.memory_space<vmem>>, vector<16xi32>,
    %broadcast_in_dim3A = arith.constant 0.000000e+00 : f32
    %broadcast_in_dim3A_18 = vector.broadcast %broadcast_in_dim3A : f32 to vector<16xf32>
    %scan3A_19 = arith.constant 0 : i32
    %scan3A_20 = arith.constant 0 : i32
    %scan3A_21 = arith.constant 632 : i32
    %scan3A_22 = arith.addi %scan3A_20, %scan3A_21 : i32
    %scan3A_23 = arith.constant 1 : i32
    %scan3A_24 = scf.for %scan3A_45 = %scan3A_20 to %scan3A_22 step %scan3A_23 iter_args(%scan3A_46 = %scan3A_19) -> (i32)  : i32 {
      %swap3A_47 = arith.index_cast %scan3A_45 : i32 to index
      %swap3A_48 = arith.constant 0 : index
      %swap3A_49 = tpu.vector_load %arg10[%swap3A_47, %swap3A_48] {strides = array<i32>} : memref<632x16xf32, #tpu.memory_space<vmem>>, vector<1x16xf32>,
      %swap3A_50 = vector.shape_cast %swap3A_49 : vector<1x16xf32> to vector<16xf32>
      %swap3A_51 = vector.shape_cast %broadcast_in_dim3A_18 : vector<16xf32> to vector<1x16xf32>
      tpu.vector_store %arg10[%swap3A_47, %swap3A_48], %swap3A_51 {strides = array<i32>} : memref<632x16xf32, #tpu.memory_space<vmem>>, vector<1x16xf32>,
      %scan3A_52 = arith.constant 0 : i32
      scf.yield %scan3A_52 : i32
    }
    %scan3A_25 = arith.constant 632 : i32
    "tpu.region"() ({
      %run_scoped3A = tpu.sem_alloc : memref<!tpu.dma_semaphore, #tpu.memory_space<semaphore_mem>>
      %dma_start3A_45 = arith.constant 0 : i32
      %dma_start3A_46 = arith.constant 0 : i32
      %dma_start3A_47 = tpu.memref_slice %arg13[%dma_start3A_45, %dma_start3A_46] : memref<10112x16xf32, #tpu.memory_space<vmem_shared>> -> memref<10112x16xf32, #tpu.memory_space<vmem_shared>>
      tpu.enqueue_indirect_dma source(%arg10 : memref<632x16xf32, #tpu.memory_space<vmem>>) target(%dma_start3A_47 : memref<10112x16xf32, #tpu.memory_space<vmem_shared>>) offsets(%arg11 : memref<632xi32, #tpu.memory_space<vmem>>) semaphore(%run_scoped3A : memref<!tpu.dma_semaphore, #tpu.memory_space<semaphore_mem>>)
      %dma_wait3A_48 = arith.constant 0 : i32
      %dma_wait3A_49 = arith.constant 0 : i32
      %dma_wait3A_50 = tpu.memref_slice %arg13[%dma_wait3A_48, %dma_wait3A_49] : memref<10112x16xf32, #tpu.memory_space<vmem_shared>> -> memref<10112x16xf32, #tpu.memory_space<vmem_shared>>
      tpu.wait_indirect_dma semaphore(%run_scoped3A : memref<!tpu.dma_semaphore, #tpu.memory_space<semaphore_mem>>) src(%arg10 : memref<632x16xf32, #tpu.memory_space<vmem>>) dst(%dma_wait3A_50 : memref<10112x16xf32, #tpu.memory_space<vmem_shared>>)
      tpu.yield
    }) : () -> ()
    "tpu.region"() ({
      %run_scoped3A = tpu.sem_alloc : memref<!tpu.dma_semaphore, #tpu.memory_space<semaphore_mem>>
      %dma_start3A_45 = tpu.memref_slice %arg2[%mul3A_2] : memref<327680xi32, #tpu.memory_space<hbm>> -> memref<10240xi32, #tpu.memory_space<hbm>>
      %dma_start3A_46 = tpu.memref_slice %arg2[%mul3A_2] : memref<327680xi32, #tpu.memory_space<hbm>> -> memref<10240xi32, #tpu.memory_space<hbm>>
      tpu.enqueue_dma source(%dma_start3A_46 : memref<10240xi32, #tpu.memory_space<hbm>>) target(%arg6 : memref<10240xi32, #tpu.memory_space<vmem>>) target_semaphore(%run_scoped3A : memref<!tpu.dma_semaphore, #tpu.memory_space<semaphore_mem>>)
      %dma_wait3A_47 = tpu.memref_slice %arg2[%mul3A_2] : memref<327680xi32, #tpu.memory_space<hbm>> -> memref<10240xi32, #tpu.memory_space<hbm>>
      %dma_wait3A_48 = tpu.memref_slice %arg2[%mul3A_2] : memref<327680xi32, #tpu.memory_space<hbm>> -> memref<10240xi32, #tpu.memory_space<hbm>>
      tpu.wait_dma2 semaphore(%run_scoped3A : memref<!tpu.dma_semaphore, #tpu.memory_space<semaphore_mem>>) src(%dma_wait3A_48 : memref<10240xi32, #tpu.memory_space<hbm>>) dst(%arg6 : memref<10240xi32, #tpu.memory_space<vmem>>)
      tpu.yield
    }) : () -> ()
    "tpu.region"() ({
      %run_scoped3A = tpu.sem_alloc : memref<!tpu.dma_semaphore, #tpu.memory_space<semaphore_mem>>
      %dma_start3A_45 = tpu.memref_slice %arg3[%mul3A_2] : memref<327680xi32, #tpu.memory_space<hbm>> -> memref<10240xi32, #tpu.memory_space<hbm>>
      %dma_start3A_46 = tpu.memref_slice %arg3[%mul3A_2] : memref<327680xi32, #tpu.memory_space<hbm>> -> memref<10240xi32, #tpu.memory_space<hbm>>
      tpu.enqueue_dma source(%dma_start3A_46 : memref<10240xi32, #tpu.memory_space<hbm>>) target(%arg7 : memref<10240xi32, #tpu.memory_space<vmem>>) target_semaphore(%run_scoped3A : memref<!tpu.dma_semaphore, #tpu.memory_space<semaphore_mem>>)
      %dma_wait3A_47 = tpu.memref_slice %arg3[%mul3A_2] : memref<327680xi32, #tpu.memory_space<hbm>> -> memref<10240xi32, #tpu.memory_space<hbm>>
      %dma_wait3A_48 = tpu.memref_slice %arg3[%mul3A_2] : memref<327680xi32, #tpu.memory_space<hbm>> -> memref<10240xi32, #tpu.memory_space<hbm>>
      tpu.wait_dma2 semaphore(%run_scoped3A : memref<!tpu.dma_semaphore, #tpu.memory_space<semaphore_mem>>) src(%dma_wait3A_48 : memref<10240xi32, #tpu.memory_space<hbm>>) dst(%arg7 : memref<10240xi32, #tpu.memory_space<vmem>>)
      tpu.yield
    }) : () -> ()
    %barrier3A = arith.constant 0 : index
    tpu.barrier barrier_id(%barrier3A)
    %dma_start3A = arith.constant 0 : i32
    %dma_start3A_26 = tpu.memref_slice %arg6[%dma_start3A] : memref<10240xi32, #tpu.memory_space<vmem>> -> memref<128xi32, #tpu.memory_space<vmem>>
    %dma_start3A_27 = arith.constant 0 : i32
    %dma_start3A_28 = arith.constant 0 : i32
    %dma_start3A_29 = tpu.memref_slice %arg4[%dma_start3A_27, %dma_start3A_28] : memref<10112x16xf32, #tpu.memory_space<hbm>> -> memref<10112x16xf32, #tpu.memory_space<hbm>>
    tpu.enqueue_indirect_dma source(%dma_start3A_29 : memref<10112x16xf32, #tpu.memory_space<hbm>>) target(%arg8 : memref<128x16xf32, #tpu.memory_space<vmem>>) offsets(%dma_start3A_26 : memref<128xi32, #tpu.memory_space<vmem>>) semaphore(%arg12 : memref<!tpu.dma_semaphore, #tpu.memory_space<semaphore_mem>>)
    %scan3A_30 = arith.constant 0 : i32
    %scan3A_31 = arith.constant 0 : i32
    %scan3A_32 = arith.constant 40 : i32
    %scan3A_33 = arith.addi %scan3A_31, %scan3A_32 : i32
    %scan3A_34 = arith.constant 1 : i32
    %scan3A_35 = scf.for %scan3A_45 = %scan3A_31 to %scan3A_33 step %scan3A_34 iter_args(%scan3A_46 = %scan3A_30) -> (i32)  : i32 {
      %mul3A_47 = arith.constant 2 : i32
      %mul3A_48 = arith.muli %mul3A_47, %scan3A_45 : i32
      %dma_wait3A_49 = arith.constant 0 : i32
      %dma_wait3A_50 = arith.constant 0 : i32
      %dma_wait3A_51 = tpu.memref_slice %arg4[%dma_wait3A_49, %dma_wait3A_50] : memref<10112x16xf32, #tpu.memory_space<hbm>> -> memref<128x16xf32, #tpu.memory_space<hbm>>
      %dma_wait3A_52 = arith.constant 0 : i32
      %dma_wait3A_53 = arith.constant 0 : i32
      %dma_wait3A_54 = tpu.memref_slice %arg4[%dma_wait3A_52, %dma_wait3A_53] : memref<10112x16xf32, #tpu.memory_space<hbm>> -> memref<128x16xf32, #tpu.memory_space<hbm>>
      tpu.wait_dma2 semaphore(%arg12 : memref<!tpu.dma_semaphore, #tpu.memory_space<semaphore_mem>>) src(%dma_wait3A_54 : memref<128x16xf32, #tpu.memory_space<hbm>>) dst(%arg8 : memref<128x16xf32, #tpu.memory_space<vmem>>)
      %add3A_55 = arith.constant 1 : i32
      %add3A_56 = arith.addi %mul3A_48, %add3A_55 : i32
      %mul3A_57 = arith.constant 128 : i32
      %mul3A_58 = arith.muli %add3A_56, %mul3A_57 : i32
      %dma_start3A_59 = tpu.memref_slice %arg6[%mul3A_58] : memref<10240xi32, #tpu.memory_space<vmem>> -> memref<128xi32, #tpu.memory_space<vmem>>
      %dma_start3A_60 = arith.constant 0 : i32
      %dma_start3A_61 = arith.constant 0 : i32
      %dma_start3A_62 = tpu.memref_slice %arg4[%dma_start3A_60, %dma_start3A_61] : memref<10112x16xf32, #tpu.memory_space<hbm>> -> memref<10112x16xf32, #tpu.memory_space<hbm>>
      tpu.enqueue_indirect_dma source(%dma_start3A_62 : memref<10112x16xf32, #tpu.memory_space<hbm>>) target(%arg9 : memref<128x16xf32, #tpu.memory_space<vmem>>) offsets(%dma_start3A_59 : memref<128xi32, #tpu.memory_space<vmem>>) semaphore(%arg12 : memref<!tpu.dma_semaphore, #tpu.memory_space<semaphore_mem>>)
      %mul3A_63 = arith.constant 128 : i32
      %mul3A_64 = arith.muli %mul3A_48, %mul3A_63 : i32
      "tpu.region"() ({
        %run_scoped3A = tpu.sem_alloc : memref<!tpu.dma_semaphore, #tpu.memory_space<semaphore_mem>>
        %dma_start3A_93 = tpu.memref_slice %arg7[%mul3A_64] : memref<10240xi32, #tpu.memory_space<vmem>> -> memref<128xi32, #tpu.memory_space<vmem>>
        %dma_start3A_94 = arith.constant 0 : i32
        %dma_start3A_95 = arith.constant 0 : i32
        %dma_start3A_96 = tpu.memref_slice %arg13[%dma_start3A_94, %dma_start3A_95] : memref<10112x16xf32, #tpu.memory_space<vmem_shared>> -> memref<10112x16xf32, #tpu.memory_space<vmem_shared>>
        tpu.enqueue_indirect_dma source(%arg8 : memref<128x16xf32, #tpu.memory_space<vmem>>) target(%dma_start3A_96 : memref<10112x16xf32, #tpu.memory_space<vmem_shared>>) offsets(%dma_start3A_93 : memref<128xi32, #tpu.memory_space<vmem>>) semaphore(%run_scoped3A : memref<!tpu.dma_semaphore, #tpu.memory_space<semaphore_mem>>) {add = true}
        %dma_wait3A_97 = tpu.memref_slice %arg7[%mul3A_64] : memref<10240xi32, #tpu.memory_space<vmem>> -> memref<128xi32, #tpu.memory_space<vmem>>
        %dma_wait3A_98 = arith.constant 0 : i32
        %dma_wait3A_99 = arith.constant 0 : i32
        %dma_wait3A_100 = tpu.memref_slice %arg13[%dma_wait3A_98, %dma_wait3A_99] : memref<10112x16xf32, #tpu.memory_space<vmem_shared>> -> memref<10112x16xf32, #tpu.memory_space<vmem_shared>>
        tpu.wait_indirect_dma semaphore(%run_scoped3A : memref<!tpu.dma_semaphore, #tpu.memory_space<semaphore_mem>>) src(%arg8 : memref<128x16xf32, #tpu.memory_space<vmem>>) dst(%dma_wait3A_100 : memref<10112x16xf32, #tpu.memory_space<vmem_shared>>)
        tpu.yield
      }) : () -> ()
      %dma_wait3A_65 = arith.constant 0 : i32
      %dma_wait3A_66 = arith.constant 0 : i32
      %dma_wait3A_67 = tpu.memref_slice %arg4[%dma_wait3A_65, %dma_wait3A_66] : memref<10112x16xf32, #tpu.memory_space<hbm>> -> memref<128x16xf32, #tpu.memory_space<hbm>>
      %dma_wait3A_68 = arith.constant 0 : i32
      %dma_wait3A_69 = arith.constant 0 : i32
      %dma_wait3A_70 = tpu.memref_slice %arg4[%dma_wait3A_68, %dma_wait3A_69] : memref<10112x16xf32, #tpu.memory_space<hbm>> -> memref<128x16xf32, #tpu.memory_space<hbm>>
      tpu.wait_dma2 semaphore(%arg12 : memref<!tpu.dma_semaphore, #tpu.memory_space<semaphore_mem>>) src(%dma_wait3A_70 : memref<128x16xf32, #tpu.memory_space<hbm>>) dst(%arg9 : memref<128x16xf32, #tpu.memory_space<vmem>>)
      %add3A_71 = arith.constant 2 : i32
      %add3A_72 = arith.addi %mul3A_48, %add3A_71 : i32
      %jit3A = arith.constant 80 : i32
      %eq3A = arith.constant 0 : i32
      %eq3A_73 = arith.cmpi eq, %jit3A, %eq3A : i32
      %jit3A_74 = arith.constant 1 : i32
      %select_n3A = arith.select %eq3A_73, %jit3A_74, %jit3A : i32
      %rem3A = arith.remsi %add3A_72, %select_n3A : i32
      %ne3A = arith.constant 0 : i32
      %ne3A_75 = arith.cmpi ne, %rem3A, %ne3A : i32
      %lt3A = arith.constant 0 : i32
      %lt3A_76 = arith.cmpi slt, %rem3A, %lt3A : i32
      %lt3A_77 = arith.constant 0 : i32
      %lt3A_78 = arith.cmpi slt, %select_n3A, %lt3A_77 : i32
      %ne3A_79 = arith.xori %lt3A_76, %lt3A_78 : i1
      %and3A = arith.andi %ne3A_79, %ne3A_75 : i1
      %add3A_80 = arith.addi %rem3A, %select_n3A : i32
      %select_n3A_81 = arith.select %and3A, %add3A_80, %rem3A : i32
      %mul3A_82 = arith.constant 128 : i32
      %mul3A_83 = arith.muli %select_n3A_81, %mul3A_82 : i32
      %dma_start3A_84 = tpu.memref_slice %arg6[%mul3A_83] : memref<10240xi32, #tpu.memory_space<vmem>> -> memref<128xi32, #tpu.memory_space<vmem>>
      %dma_start3A_85 = arith.constant 0 : i32
      %dma_start3A_86 = arith.constant 0 : i32
      %dma_start3A_87 = tpu.memref_slice %arg4[%dma_start3A_85, %dma_start3A_86] : memref<10112x16xf32, #tpu.memory_space<hbm>> -> memref<10112x16xf32, #tpu.memory_space<hbm>>
      tpu.enqueue_indirect_dma source(%dma_start3A_87 : memref<10112x16xf32, #tpu.memory_space<hbm>>) target(%arg8 : memref<128x16xf32, #tpu.memory_space<vmem>>) offsets(%dma_start3A_84 : memref<128xi32, #tpu.memory_space<vmem>>) semaphore(%arg12 : memref<!tpu.dma_semaphore, #tpu.memory_space<semaphore_mem>>)
      %add3A_88 = arith.constant 1 : i32
      %add3A_89 = arith.addi %mul3A_48, %add3A_88 : i32
      %mul3A_90 = arith.constant 128 : i32
      %mul3A_91 = arith.muli %add3A_89, %mul3A_90 : i32
      "tpu.region"() ({
        %run_scoped3A = tpu.sem_alloc : memref<!tpu.dma_semaphore, #tpu.memory_space<semaphore_mem>>
        %dma_start3A_93 = tpu.memref_slice %arg7[%mul3A_91] : memref<10240xi32, #tpu.memory_space<vmem>> -> memref<128xi32, #tpu.memory_space<vmem>>
        %dma_start3A_94 = arith.constant 0 : i32
        %dma_start3A_95 = arith.constant 0 : i32
        %dma_start3A_96 = tpu.memref_slice %arg13[%dma_start3A_94, %dma_start3A_95] : memref<10112x16xf32, #tpu.memory_space<vmem_shared>> -> memref<10112x16xf32, #tpu.memory_space<vmem_shared>>
        tpu.enqueue_indirect_dma source(%arg9 : memref<128x16xf32, #tpu.memory_space<vmem>>) target(%dma_start3A_96 : memref<10112x16xf32, #tpu.memory_space<vmem_shared>>) offsets(%dma_start3A_93 : memref<128xi32, #tpu.memory_space<vmem>>) semaphore(%run_scoped3A : memref<!tpu.dma_semaphore, #tpu.memory_space<semaphore_mem>>) {add = true}
        %dma_wait3A_97 = tpu.memref_slice %arg7[%mul3A_91] : memref<10240xi32, #tpu.memory_space<vmem>> -> memref<128xi32, #tpu.memory_space<vmem>>
        %dma_wait3A_98 = arith.constant 0 : i32
        %dma_wait3A_99 = arith.constant 0 : i32
        %dma_wait3A_100 = tpu.memref_slice %arg13[%dma_wait3A_98, %dma_wait3A_99] : memref<10112x16xf32, #tpu.memory_space<vmem_shared>> -> memref<10112x16xf32, #tpu.memory_space<vmem_shared>>
        tpu.wait_indirect_dma semaphore(%run_scoped3A : memref<!tpu.dma_semaphore, #tpu.memory_space<semaphore_mem>>) src(%arg9 : memref<128x16xf32, #tpu.memory_space<vmem>>) dst(%dma_wait3A_100 : memref<10112x16xf32, #tpu.memory_space<vmem_shared>>)
        tpu.yield
      }) : () -> ()
      %scan3A_92 = arith.constant 0 : i32
      scf.yield %scan3A_92 : i32
    }
    %scan3A_36 = arith.constant 40 : i32
    %dma_wait3A = arith.constant 0 : i32
    %dma_wait3A_37 = arith.constant 0 : i32
    %dma_wait3A_38 = tpu.memref_slice %arg4[%dma_wait3A, %dma_wait3A_37] : memref<10112x16xf32, #tpu.memory_space<hbm>> -> memref<128x16xf32, #tpu.memory_space<hbm>>
    %dma_wait3A_39 = arith.constant 0 : i32
    %dma_wait3A_40 = arith.constant 0 : i32
    %dma_wait3A_41 = tpu.memref_slice %arg4[%dma_wait3A_39, %dma_wait3A_40] : memref<10112x16xf32, #tpu.memory_space<hbm>> -> memref<128x16xf32, #tpu.memory_space<hbm>>
    tpu.wait_dma2 semaphore(%arg12 : memref<!tpu.dma_semaphore, #tpu.memory_space<semaphore_mem>>) src(%dma_wait3A_41 : memref<128x16xf32, #tpu.memory_space<hbm>>) dst(%arg8 : memref<128x16xf32, #tpu.memory_space<vmem>>)
    %barrier3A_42 = arith.constant 0 : index
    tpu.barrier barrier_id(%barrier3A_42)
    "tpu.region"() ({
      %run_scoped3A = tpu.sem_alloc : memref<!tpu.dma_semaphore, #tpu.memory_space<semaphore_mem>>
      %dma_start3A_45 = arith.constant 0 : i32
      %dma_start3A_46 = arith.constant 0 : i32
      %dma_start3A_47 = tpu.memref_slice %arg13[%dma_start3A_45, %dma_start3A_46] : memref<10112x16xf32, #tpu.memory_space<vmem_shared>> -> memref<10112x16xf32, #tpu.memory_space<vmem_shared>>
      tpu.enqueue_indirect_dma source(%dma_start3A_47 : memref<10112x16xf32, #tpu.memory_space<vmem_shared>>) target(%arg10 : memref<632x16xf32, #tpu.memory_space<vmem>>) offsets(%arg11 : memref<632xi32, #tpu.memory_space<vmem>>) semaphore(%run_scoped3A : memref<!tpu.dma_semaphore, #tpu.memory_space<semaphore_mem>>)
      %dma_wait3A_48 = arith.constant 0 : i32
      %dma_wait3A_49 = arith.constant 0 : i32
      %dma_wait3A_50 = tpu.memref_slice %arg13[%dma_wait3A_48, %dma_wait3A_49] : memref<10112x16xf32, #tpu.memory_space<vmem_shared>> -> memref<10112x16xf32, #tpu.memory_space<vmem_shared>>
      tpu.wait_indirect_dma semaphore(%run_scoped3A : memref<!tpu.dma_semaphore, #tpu.memory_space<semaphore_mem>>) src(%dma_wait3A_50 : memref<10112x16xf32, #tpu.memory_space<vmem_shared>>) dst(%arg10 : memref<632x16xf32, #tpu.memory_space<vmem>>)
      tpu.yield
    }) : () -> ()
    %mul3A_43 = arith.constant 632 : i32
    %mul3A_44 = arith.muli %arg1, %mul3A_43 : i32
    "tpu.region"() ({
      %run_scoped3A = tpu.sem_alloc : memref<!tpu.dma_semaphore, #tpu.memory_space<semaphore_mem>>
      %dma_start3A_45 = arith.constant 0 : i32
      %dma_start3A_46 = tpu.memref_slice %arg5[%arg0, %mul3A_44, %dma_start3A_45] : memref<2x10112x16xf32, #tpu.memory_space<hbm>> -> memref<1x632x16xf32, #tpu.memory_space<hbm>>
      %dma_start3A_47 = tpu.memref_squeeze %dma_start3A_46 : memref<1x632x16xf32, #tpu.memory_space<hbm>> -> memref<632x16xf32, #tpu.memory_space<hbm>>
      %dma_start3A_48 = arith.constant 0 : i32
      %dma_start3A_49 = tpu.memref_slice %arg5[%arg0, %mul3A_44, %dma_start3A_48] : memref<2x10112x16xf32, #tpu.memory_space<hbm>> -> memref<1x632x16xf32, #tpu.memory_space<hbm>>
      %dma_start3A_50 = tpu.memref_squeeze %dma_start3A_49 : memref<1x632x16xf32, #tpu.memory_space<hbm>> -> memref<632x16xf32, #tpu.memory_space<hbm>>
      tpu.enqueue_dma source(%arg10 : memref<632x16xf32, #tpu.memory_space<vmem>>) target(%dma_start3A_50 : memref<632x16xf32, #tpu.memory_space<hbm>>) target_semaphore(%run_scoped3A : memref<!tpu.dma_semaphore, #tpu.memory_space<semaphore_mem>>)
      %dma_wait3A_51 = arith.constant 0 : i32
      %dma_wait3A_52 = tpu.memref_slice %arg5[%arg0, %mul3A_44, %dma_wait3A_51] : memref<2x10112x16xf32, #tpu.memory_space<hbm>> -> memref<1x632x16xf32, #tpu.memory_space<hbm>>
      %dma_wait3A_53 = tpu.memref_squeeze %dma_wait3A_52 : memref<1x632x16xf32, #tpu.memory_space<hbm>> -> memref<632x16xf32, #tpu.memory_space<hbm>>
      %dma_wait3A_54 = arith.constant 0 : i32
      %dma_wait3A_55 = tpu.memref_slice %arg5[%arg0, %mul3A_44, %dma_wait3A_54] : memref<2x10112x16xf32, #tpu.memory_space<hbm>> -> memref<1x632x16xf32, #tpu.memory_space<hbm>>
      %dma_wait3A_56 = tpu.memref_squeeze %dma_wait3A_55 : memref<1x632x16xf32, #tpu.memory_space<hbm>> -> memref<632x16xf32, #tpu.memory_space<hbm>>
      tpu.wait_dma2 semaphore(%run_scoped3A : memref<!tpu.dma_semaphore, #tpu.memory_space<semaphore_mem>>) src(%arg10 : memref<632x16xf32, #tpu.memory_space<vmem>>) dst(%dma_wait3A_56 : memref<632x16xf32, #tpu.memory_space<hbm>>)
      tpu.yield
    }) : () -> ()
    return
  }
}

#map = affine_map<(d0, d1) -> (0)>
#map1 = affine_map<(d0, d1) -> (0, 0)>
#map2 = affine_map<(d0, d1) -> (0, 0, 0)>
module attributes {stable_mosaic.version = 14 : i64} {
  func.func @_edge_body(%arg0: i32, %arg1: i32, %arg2: memref<327680xi32, #tpu.memory_space<hbm>>, %arg3: memref<327680xi32, #tpu.memory_space<hbm>>, %arg4: memref<10112x16xf32, #tpu.memory_space<hbm>>, %arg5: memref<2x10112x16xf32, #tpu.memory_space<hbm>>, %arg6: memref<10240xi32, #tpu.memory_space<vmem>>, %arg7: memref<10240xi32, #tpu.memory_space<vmem>>, %arg8: memref<128x16xf32, #tpu.memory_space<vmem>>, %arg9: memref<128x16xf32, #tpu.memory_space<vmem>>, %arg10: memref<632x16xf32, #tpu.memory_space<vmem>>, %arg11: memref<632xi32, #tpu.memory_space<vmem>>, %arg12: memref<!tpu.dma_semaphore, #tpu.memory_space<semaphore_mem>>, %arg13: memref<10112x16xf32, #tpu.memory_space<vmem_shared>>) attributes {dimension_semantics = [#tpu.dimension_semantics<core_parallel>, #tpu.dimension_semantics<subcore_parallel>], iteration_bounds = array<i64: 2, 16>, scalar_prefetch = 0 : i64, scratch_operands = 8 : i64, tpu.core_type = #tpu.core_type<sc_vector_subcore>, window_params = [{transform_indices = #map}, {transform_indices = #map}, {transform_indices = #map1}, {transform_indices = #map2}]} {
    %mul3A = arith.constant 2 : i32
    %mul3A_0 = arith.muli %arg1, %mul3A : i32
    %add3A = arith.addi %mul3A_0, %arg0 : i32
    %mul3A_1 = arith.constant 10240 : i32
    %mul3A_2 = arith.muli %add3A, %mul3A_1 : i32
    %mul3A_3 = arith.constant 632 : i32
    %mul3A_4 = arith.muli %arg1, %mul3A_3 : i32
    %iota3A = tpu.iota {dimensions = array<i32: 0>} : vector<16xi32>
    %scan3A = arith.constant 0 : i32
    %scan3A_5 = arith.constant 0 : i32
    %scan3A_6 = arith.constant 39 : i32
    %scan3A_7 = arith.addi %scan3A_5, %scan3A_6 : i32
    %scan3A_8 = arith.constant 1 : i32
    %scan3A_9 = scf.for %scan3A_45 = %scan3A_5 to %scan3A_7 step %scan3A_8 iter_args(%scan3A_46 = %scan3A) -> (i32)  : i32 {
      %mul3A_47 = arith.constant 16 : i32
      %mul3A_48 = arith.muli %scan3A_45, %mul3A_47 : i32
      %add3A_49 = arith.addi %mul3A_4, %mul3A_48 : i32
      %add3A_50 = vector.broadcast %add3A_49 : i32 to vector<16xi32>
      %add3A_51 = arith.addi %add3A_50, %iota3A : vector<16xi32>
      %mul3A_52 = arith.constant 16 : i32
      %mul3A_53 = arith.muli %scan3A_45, %mul3A_52 : i32
      %swap3A_54 = arith.index_cast %mul3A_53 : i32 to index
      %swap3A_55 = tpu.vector_load %arg11[%swap3A_54] {strides = array<i32>} : memref<632xi32, #tpu.memory_space<vmem>>, vector<16xi32>,
      %swap3A_56 = vector.shape_cast %swap3A_55 : vector<16xi32> to vector<16xi32>
      %swap3A_57 = vector.shape_cast %add3A_51 : vector<16xi32> to vector<16xi32>
      tpu.vector_store %arg11[%swap3A_54], %swap3A_57 {strides = array<i32>} : memref<632xi32, #tpu.memory_space<vmem>>, vector<16xi32>,
      %scan3A_58 = arith.constant 0 : i32
      scf.yield %scan3A_58 : i32
    }
    %scan3A_10 = arith.constant 39 : i32
    %add3A_11 = arith.constant 616 : i32
    %add3A_12 = arith.addi %mul3A_4, %add3A_11 : i32
    %add3A_13 = vector.broadcast %add3A_12 : i32 to vector<16xi32>
    %add3A_14 = arith.addi %add3A_13, %iota3A : vector<16xi32>
    %swap3A = arith.constant 616 : index
    %swap3A_15 = tpu.vector_load %arg11[%swap3A] {strides = array<i32>} : memref<632xi32, #tpu.memory_space<vmem>>, vector<16xi32>,
    %swap3A_16 = vector.shape_cast %swap3A_15 : vector<16xi32> to vector<16xi32>
    %swap3A_17 = vector.shape_cast %add3A_14 : vector<16xi32> to vector<16xi32>
    tpu.vector_store %arg11[%swap3A], %swap3A_17 {strides = array<i32>} : memref<632xi32, #tpu.memory_space<vmem>>, vector<16xi32>,
    %broadcast_in_dim3A = arith.constant 0.000000e+00 : f32
    %broadcast_in_dim3A_18 = vector.broadcast %broadcast_in_dim3A : f32 to vector<16xf32>
    %scan3A_19 = arith.constant 0 : i32
    %scan3A_20 = arith.constant 0 : i32
    %scan3A_21 = arith.constant 632 : i32
    %scan3A_22 = arith.addi %scan3A_20, %scan3A_21 : i32
    %scan3A_23 = arith.constant 1 : i32
    %scan3A_24 = scf.for %scan3A_45 = %scan3A_20 to %scan3A_22 step %scan3A_23 iter_args(%scan3A_46 = %scan3A_19) -> (i32)  : i32 {
      %swap3A_47 = arith.index_cast %scan3A_45 : i32 to index
      %swap3A_48 = arith.constant 0 : index
      %swap3A_49 = tpu.vector_load %arg10[%swap3A_47, %swap3A_48] {strides = array<i32>} : memref<632x16xf32, #tpu.memory_space<vmem>>, vector<1x16xf32>,
      %swap3A_50 = vector.shape_cast %swap3A_49 : vector<1x16xf32> to vector<16xf32>
      %swap3A_51 = vector.shape_cast %broadcast_in_dim3A_18 : vector<16xf32> to vector<1x16xf32>
      tpu.vector_store %arg10[%swap3A_47, %swap3A_48], %swap3A_51 {strides = array<i32>} : memref<632x16xf32, #tpu.memory_space<vmem>>, vector<1x16xf32>,
      %scan3A_52 = arith.constant 0 : i32
      scf.yield %scan3A_52 : i32
    }
    %scan3A_25 = arith.constant 632 : i32
    "tpu.region"() ({
      %run_scoped3A = tpu.sem_alloc : memref<!tpu.dma_semaphore, #tpu.memory_space<semaphore_mem>>
      %dma_start3A_45 = arith.constant 0 : i32
      %dma_start3A_46 = arith.constant 0 : i32
      %dma_start3A_47 = tpu.memref_slice %arg13[%dma_start3A_45, %dma_start3A_46] : memref<10112x16xf32, #tpu.memory_space<vmem_shared>> -> memref<10112x16xf32, #tpu.memory_space<vmem_shared>>
      tpu.enqueue_indirect_dma source(%arg10 : memref<632x16xf32, #tpu.memory_space<vmem>>) target(%dma_start3A_47 : memref<10112x16xf32, #tpu.memory_space<vmem_shared>>) offsets(%arg11 : memref<632xi32, #tpu.memory_space<vmem>>) semaphore(%run_scoped3A : memref<!tpu.dma_semaphore, #tpu.memory_space<semaphore_mem>>)
      %dma_wait3A_48 = arith.constant 0 : i32
      %dma_wait3A_49 = arith.constant 0 : i32
      %dma_wait3A_50 = tpu.memref_slice %arg13[%dma_wait3A_48, %dma_wait3A_49] : memref<10112x16xf32, #tpu.memory_space<vmem_shared>> -> memref<10112x16xf32, #tpu.memory_space<vmem_shared>>
      tpu.wait_indirect_dma semaphore(%run_scoped3A : memref<!tpu.dma_semaphore, #tpu.memory_space<semaphore_mem>>) src(%arg10 : memref<632x16xf32, #tpu.memory_space<vmem>>) dst(%dma_wait3A_50 : memref<10112x16xf32, #tpu.memory_space<vmem_shared>>)
      tpu.yield
    }) : () -> ()
    "tpu.region"() ({
      %run_scoped3A = tpu.sem_alloc : memref<!tpu.dma_semaphore, #tpu.memory_space<semaphore_mem>>
      %dma_start3A_45 = tpu.memref_slice %arg2[%mul3A_2] : memref<327680xi32, #tpu.memory_space<hbm>> -> memref<10240xi32, #tpu.memory_space<hbm>>
      %dma_start3A_46 = tpu.memref_slice %arg2[%mul3A_2] : memref<327680xi32, #tpu.memory_space<hbm>> -> memref<10240xi32, #tpu.memory_space<hbm>>
      tpu.enqueue_dma source(%dma_start3A_46 : memref<10240xi32, #tpu.memory_space<hbm>>) target(%arg6 : memref<10240xi32, #tpu.memory_space<vmem>>) target_semaphore(%run_scoped3A : memref<!tpu.dma_semaphore, #tpu.memory_space<semaphore_mem>>)
      %dma_wait3A_47 = tpu.memref_slice %arg2[%mul3A_2] : memref<327680xi32, #tpu.memory_space<hbm>> -> memref<10240xi32, #tpu.memory_space<hbm>>
      %dma_wait3A_48 = tpu.memref_slice %arg2[%mul3A_2] : memref<327680xi32, #tpu.memory_space<hbm>> -> memref<10240xi32, #tpu.memory_space<hbm>>
      tpu.wait_dma2 semaphore(%run_scoped3A : memref<!tpu.dma_semaphore, #tpu.memory_space<semaphore_mem>>) src(%dma_wait3A_48 : memref<10240xi32, #tpu.memory_space<hbm>>) dst(%arg6 : memref<10240xi32, #tpu.memory_space<vmem>>)
      tpu.yield
    }) : () -> ()
    "tpu.region"() ({
      %run_scoped3A = tpu.sem_alloc : memref<!tpu.dma_semaphore, #tpu.memory_space<semaphore_mem>>
      %dma_start3A_45 = tpu.memref_slice %arg3[%mul3A_2] : memref<327680xi32, #tpu.memory_space<hbm>> -> memref<10240xi32, #tpu.memory_space<hbm>>
      %dma_start3A_46 = tpu.memref_slice %arg3[%mul3A_2] : memref<327680xi32, #tpu.memory_space<hbm>> -> memref<10240xi32, #tpu.memory_space<hbm>>
      tpu.enqueue_dma source(%dma_start3A_46 : memref<10240xi32, #tpu.memory_space<hbm>>) target(%arg7 : memref<10240xi32, #tpu.memory_space<vmem>>) target_semaphore(%run_scoped3A : memref<!tpu.dma_semaphore, #tpu.memory_space<semaphore_mem>>)
      %dma_wait3A_47 = tpu.memref_slice %arg3[%mul3A_2] : memref<327680xi32, #tpu.memory_space<hbm>> -> memref<10240xi32, #tpu.memory_space<hbm>>
      %dma_wait3A_48 = tpu.memref_slice %arg3[%mul3A_2] : memref<327680xi32, #tpu.memory_space<hbm>> -> memref<10240xi32, #tpu.memory_space<hbm>>
      tpu.wait_dma2 semaphore(%run_scoped3A : memref<!tpu.dma_semaphore, #tpu.memory_space<semaphore_mem>>) src(%dma_wait3A_48 : memref<10240xi32, #tpu.memory_space<hbm>>) dst(%arg7 : memref<10240xi32, #tpu.memory_space<vmem>>)
      tpu.yield
    }) : () -> ()
    %barrier3A = arith.constant 0 : index
    tpu.barrier barrier_id(%barrier3A)
    %dma_start3A = arith.constant 0 : i32
    %dma_start3A_26 = tpu.memref_slice %arg6[%dma_start3A] : memref<10240xi32, #tpu.memory_space<vmem>> -> memref<128xi32, #tpu.memory_space<vmem>>
    %dma_start3A_27 = arith.constant 0 : i32
    %dma_start3A_28 = arith.constant 0 : i32
    %dma_start3A_29 = tpu.memref_slice %arg4[%dma_start3A_27, %dma_start3A_28] : memref<10112x16xf32, #tpu.memory_space<hbm>> -> memref<10112x16xf32, #tpu.memory_space<hbm>>
    tpu.enqueue_indirect_dma source(%dma_start3A_29 : memref<10112x16xf32, #tpu.memory_space<hbm>>) target(%arg8 : memref<128x16xf32, #tpu.memory_space<vmem>>) offsets(%dma_start3A_26 : memref<128xi32, #tpu.memory_space<vmem>>) semaphore(%arg12 : memref<!tpu.dma_semaphore, #tpu.memory_space<semaphore_mem>>)
    %scan3A_30 = arith.constant 0 : i32
    %scan3A_31 = arith.constant 0 : i32
    %scan3A_32 = arith.constant 40 : i32
    %scan3A_33 = arith.addi %scan3A_31, %scan3A_32 : i32
    %scan3A_34 = arith.constant 1 : i32
    %scan3A_35 = scf.for %scan3A_45 = %scan3A_31 to %scan3A_33 step %scan3A_34 iter_args(%scan3A_46 = %scan3A_30) -> (i32)  : i32 {
      %mul3A_47 = arith.constant 2 : i32
      %mul3A_48 = arith.muli %mul3A_47, %scan3A_45 : i32
      %dma_wait3A_49 = arith.constant 0 : i32
      %dma_wait3A_50 = arith.constant 0 : i32
      %dma_wait3A_51 = tpu.memref_slice %arg4[%dma_wait3A_49, %dma_wait3A_50] : memref<10112x16xf32, #tpu.memory_space<hbm>> -> memref<128x16xf32, #tpu.memory_space<hbm>>
      %dma_wait3A_52 = arith.constant 0 : i32
      %dma_wait3A_53 = arith.constant 0 : i32
      %dma_wait3A_54 = tpu.memref_slice %arg4[%dma_wait3A_52, %dma_wait3A_53] : memref<10112x16xf32, #tpu.memory_space<hbm>> -> memref<128x16xf32, #tpu.memory_space<hbm>>
      tpu.wait_dma2 semaphore(%arg12 : memref<!tpu.dma_semaphore, #tpu.memory_space<semaphore_mem>>) src(%dma_wait3A_54 : memref<128x16xf32, #tpu.memory_space<hbm>>) dst(%arg8 : memref<128x16xf32, #tpu.memory_space<vmem>>)
      %add3A_55 = arith.constant 1 : i32
      %add3A_56 = arith.addi %mul3A_48, %add3A_55 : i32
      %mul3A_57 = arith.constant 128 : i32
      %mul3A_58 = arith.muli %add3A_56, %mul3A_57 : i32
      %dma_start3A_59 = tpu.memref_slice %arg6[%mul3A_58] : memref<10240xi32, #tpu.memory_space<vmem>> -> memref<128xi32, #tpu.memory_space<vmem>>
      %dma_start3A_60 = arith.constant 0 : i32
      %dma_start3A_61 = arith.constant 0 : i32
      %dma_start3A_62 = tpu.memref_slice %arg4[%dma_start3A_60, %dma_start3A_61] : memref<10112x16xf32, #tpu.memory_space<hbm>> -> memref<10112x16xf32, #tpu.memory_space<hbm>>
      tpu.enqueue_indirect_dma source(%dma_start3A_62 : memref<10112x16xf32, #tpu.memory_space<hbm>>) target(%arg9 : memref<128x16xf32, #tpu.memory_space<vmem>>) offsets(%dma_start3A_59 : memref<128xi32, #tpu.memory_space<vmem>>) semaphore(%arg12 : memref<!tpu.dma_semaphore, #tpu.memory_space<semaphore_mem>>)
      %mul3A_63 = arith.constant 128 : i32
      %mul3A_64 = arith.muli %mul3A_48, %mul3A_63 : i32
      "tpu.region"() ({
        %run_scoped3A = tpu.sem_alloc : memref<!tpu.dma_semaphore, #tpu.memory_space<semaphore_mem>>
        %dma_start3A_93 = tpu.memref_slice %arg7[%mul3A_64] : memref<10240xi32, #tpu.memory_space<vmem>> -> memref<128xi32, #tpu.memory_space<vmem>>
        %dma_start3A_94 = arith.constant 0 : i32
        %dma_start3A_95 = arith.constant 0 : i32
        %dma_start3A_96 = tpu.memref_slice %arg13[%dma_start3A_94, %dma_start3A_95] : memref<10112x16xf32, #tpu.memory_space<vmem_shared>> -> memref<10112x16xf32, #tpu.memory_space<vmem_shared>>
        tpu.enqueue_indirect_dma source(%arg8 : memref<128x16xf32, #tpu.memory_space<vmem>>) target(%dma_start3A_96 : memref<10112x16xf32, #tpu.memory_space<vmem_shared>>) offsets(%dma_start3A_93 : memref<128xi32, #tpu.memory_space<vmem>>) semaphore(%run_scoped3A : memref<!tpu.dma_semaphore, #tpu.memory_space<semaphore_mem>>) {add = true}
        %dma_wait3A_97 = tpu.memref_slice %arg7[%mul3A_64] : memref<10240xi32, #tpu.memory_space<vmem>> -> memref<128xi32, #tpu.memory_space<vmem>>
        %dma_wait3A_98 = arith.constant 0 : i32
        %dma_wait3A_99 = arith.constant 0 : i32
        %dma_wait3A_100 = tpu.memref_slice %arg13[%dma_wait3A_98, %dma_wait3A_99] : memref<10112x16xf32, #tpu.memory_space<vmem_shared>> -> memref<10112x16xf32, #tpu.memory_space<vmem_shared>>
        tpu.wait_indirect_dma semaphore(%run_scoped3A : memref<!tpu.dma_semaphore, #tpu.memory_space<semaphore_mem>>) src(%arg8 : memref<128x16xf32, #tpu.memory_space<vmem>>) dst(%dma_wait3A_100 : memref<10112x16xf32, #tpu.memory_space<vmem_shared>>)
        tpu.yield
      }) : () -> ()
      %dma_wait3A_65 = arith.constant 0 : i32
      %dma_wait3A_66 = arith.constant 0 : i32
      %dma_wait3A_67 = tpu.memref_slice %arg4[%dma_wait3A_65, %dma_wait3A_66] : memref<10112x16xf32, #tpu.memory_space<hbm>> -> memref<128x16xf32, #tpu.memory_space<hbm>>
      %dma_wait3A_68 = arith.constant 0 : i32
      %dma_wait3A_69 = arith.constant 0 : i32
      %dma_wait3A_70 = tpu.memref_slice %arg4[%dma_wait3A_68, %dma_wait3A_69] : memref<10112x16xf32, #tpu.memory_space<hbm>> -> memref<128x16xf32, #tpu.memory_space<hbm>>
      tpu.wait_dma2 semaphore(%arg12 : memref<!tpu.dma_semaphore, #tpu.memory_space<semaphore_mem>>) src(%dma_wait3A_70 : memref<128x16xf32, #tpu.memory_space<hbm>>) dst(%arg9 : memref<128x16xf32, #tpu.memory_space<vmem>>)
      %add3A_71 = arith.constant 2 : i32
      %add3A_72 = arith.addi %mul3A_48, %add3A_71 : i32
      %jit3A = arith.constant 80 : i32
      %eq3A = arith.constant 0 : i32
      %eq3A_73 = arith.cmpi eq, %jit3A, %eq3A : i32
      %jit3A_74 = arith.constant 1 : i32
      %select_n3A = arith.select %eq3A_73, %jit3A_74, %jit3A : i32
      %rem3A = arith.remsi %add3A_72, %select_n3A : i32
      %ne3A = arith.constant 0 : i32
      %ne3A_75 = arith.cmpi ne, %rem3A, %ne3A : i32
      %lt3A = arith.constant 0 : i32
      %lt3A_76 = arith.cmpi slt, %rem3A, %lt3A : i32
      %lt3A_77 = arith.constant 0 : i32
      %lt3A_78 = arith.cmpi slt, %select_n3A, %lt3A_77 : i32
      %ne3A_79 = arith.xori %lt3A_76, %lt3A_78 : i1
      %and3A = arith.andi %ne3A_79, %ne3A_75 : i1
      %add3A_80 = arith.addi %rem3A, %select_n3A : i32
      %select_n3A_81 = arith.select %and3A, %add3A_80, %rem3A : i32
      %mul3A_82 = arith.constant 128 : i32
      %mul3A_83 = arith.muli %select_n3A_81, %mul3A_82 : i32
      %dma_start3A_84 = tpu.memref_slice %arg6[%mul3A_83] : memref<10240xi32, #tpu.memory_space<vmem>> -> memref<128xi32, #tpu.memory_space<vmem>>
      %dma_start3A_85 = arith.constant 0 : i32
      %dma_start3A_86 = arith.constant 0 : i32
      %dma_start3A_87 = tpu.memref_slice %arg4[%dma_start3A_85, %dma_start3A_86] : memref<10112x16xf32, #tpu.memory_space<hbm>> -> memref<10112x16xf32, #tpu.memory_space<hbm>>
      tpu.enqueue_indirect_dma source(%dma_start3A_87 : memref<10112x16xf32, #tpu.memory_space<hbm>>) target(%arg8 : memref<128x16xf32, #tpu.memory_space<vmem>>) offsets(%dma_start3A_84 : memref<128xi32, #tpu.memory_space<vmem>>) semaphore(%arg12 : memref<!tpu.dma_semaphore, #tpu.memory_space<semaphore_mem>>)
      %add3A_88 = arith.constant 1 : i32
      %add3A_89 = arith.addi %mul3A_48, %add3A_88 : i32
      %mul3A_90 = arith.constant 128 : i32
      %mul3A_91 = arith.muli %add3A_89, %mul3A_90 : i32
      "tpu.region"() ({
        %run_scoped3A = tpu.sem_alloc : memref<!tpu.dma_semaphore, #tpu.memory_space<semaphore_mem>>
        %dma_start3A_93 = tpu.memref_slice %arg7[%mul3A_91] : memref<10240xi32, #tpu.memory_space<vmem>> -> memref<128xi32, #tpu.memory_space<vmem>>
        %dma_start3A_94 = arith.constant 0 : i32
        %dma_start3A_95 = arith.constant 0 : i32
        %dma_start3A_96 = tpu.memref_slice %arg13[%dma_start3A_94, %dma_start3A_95] : memref<10112x16xf32, #tpu.memory_space<vmem_shared>> -> memref<10112x16xf32, #tpu.memory_space<vmem_shared>>
        tpu.enqueue_indirect_dma source(%arg9 : memref<128x16xf32, #tpu.memory_space<vmem>>) target(%dma_start3A_96 : memref<10112x16xf32, #tpu.memory_space<vmem_shared>>) offsets(%dma_start3A_93 : memref<128xi32, #tpu.memory_space<vmem>>) semaphore(%run_scoped3A : memref<!tpu.dma_semaphore, #tpu.memory_space<semaphore_mem>>) {add = true}
        %dma_wait3A_97 = tpu.memref_slice %arg7[%mul3A_91] : memref<10240xi32, #tpu.memory_space<vmem>> -> memref<128xi32, #tpu.memory_space<vmem>>
        %dma_wait3A_98 = arith.constant 0 : i32
        %dma_wait3A_99 = arith.constant 0 : i32
        %dma_wait3A_100 = tpu.memref_slice %arg13[%dma_wait3A_98, %dma_wait3A_99] : memref<10112x16xf32, #tpu.memory_space<vmem_shared>> -> memref<10112x16xf32, #tpu.memory_space<vmem_shared>>
        tpu.wait_indirect_dma semaphore(%run_scoped3A : memref<!tpu.dma_semaphore, #tpu.memory_space<semaphore_mem>>) src(%arg9 : memref<128x16xf32, #tpu.memory_space<vmem>>) dst(%dma_wait3A_100 : memref<10112x16xf32, #tpu.memory_space<vmem_shared>>)
        tpu.yield
      }) : () -> ()
      %scan3A_92 = arith.constant 0 : i32
      scf.yield %scan3A_92 : i32
    }
    %scan3A_36 = arith.constant 40 : i32
    %dma_wait3A = arith.constant 0 : i32
    %dma_wait3A_37 = arith.constant 0 : i32
    %dma_wait3A_38 = tpu.memref_slice %arg4[%dma_wait3A, %dma_wait3A_37] : memref<10112x16xf32, #tpu.memory_space<hbm>> -> memref<128x16xf32, #tpu.memory_space<hbm>>
    %dma_wait3A_39 = arith.constant 0 : i32
    %dma_wait3A_40 = arith.constant 0 : i32
    %dma_wait3A_41 = tpu.memref_slice %arg4[%dma_wait3A_39, %dma_wait3A_40] : memref<10112x16xf32, #tpu.memory_space<hbm>> -> memref<128x16xf32, #tpu.memory_space<hbm>>
    tpu.wait_dma2 semaphore(%arg12 : memref<!tpu.dma_semaphore, #tpu.memory_space<semaphore_mem>>) src(%dma_wait3A_41 : memref<128x16xf32, #tpu.memory_space<hbm>>) dst(%arg8 : memref<128x16xf32, #tpu.memory_space<vmem>>)
    %barrier3A_42 = arith.constant 0 : index
    tpu.barrier barrier_id(%barrier3A_42)
    "tpu.region"() ({
      %run_scoped3A = tpu.sem_alloc : memref<!tpu.dma_semaphore, #tpu.memory_space<semaphore_mem>>
      %dma_start3A_45 = arith.constant 0 : i32
      %dma_start3A_46 = arith.constant 0 : i32
      %dma_start3A_47 = tpu.memref_slice %arg13[%dma_start3A_45, %dma_start3A_46] : memref<10112x16xf32, #tpu.memory_space<vmem_shared>> -> memref<10112x16xf32, #tpu.memory_space<vmem_shared>>
      tpu.enqueue_indirect_dma source(%dma_start3A_47 : memref<10112x16xf32, #tpu.memory_space<vmem_shared>>) target(%arg10 : memref<632x16xf32, #tpu.memory_space<vmem>>) offsets(%arg11 : memref<632xi32, #tpu.memory_space<vmem>>) semaphore(%run_scoped3A : memref<!tpu.dma_semaphore, #tpu.memory_space<semaphore_mem>>)
      %dma_wait3A_48 = arith.constant 0 : i32
      %dma_wait3A_49 = arith.constant 0 : i32
      %dma_wait3A_50 = tpu.memref_slice %arg13[%dma_wait3A_48, %dma_wait3A_49] : memref<10112x16xf32, #tpu.memory_space<vmem_shared>> -> memref<10112x16xf32, #tpu.memory_space<vmem_shared>>
      tpu.wait_indirect_dma semaphore(%run_scoped3A : memref<!tpu.dma_semaphore, #tpu.memory_space<semaphore_mem>>) src(%dma_wait3A_50 : memref<10112x16xf32, #tpu.memory_space<vmem_shared>>) dst(%arg10 : memref<632x16xf32, #tpu.memory_space<vmem>>)
      tpu.yield
    }) : () -> ()
    %mul3A_43 = arith.constant 632 : i32
    %mul3A_44 = arith.muli %arg1, %mul3A_43 : i32
    "tpu.region"() ({
      %run_scoped3A = tpu.sem_alloc : memref<!tpu.dma_semaphore, #tpu.memory_space<semaphore_mem>>
      %dma_start3A_45 = arith.constant 0 : i32
      %dma_start3A_46 = tpu.memref_slice %arg5[%arg0, %mul3A_44, %dma_start3A_45] : memref<2x10112x16xf32, #tpu.memory_space<hbm>> -> memref<1x632x16xf32, #tpu.memory_space<hbm>>
      %dma_start3A_47 = tpu.memref_squeeze %dma_start3A_46 : memref<1x632x16xf32, #tpu.memory_space<hbm>> -> memref<632x16xf32, #tpu.memory_space<hbm>>
      %dma_start3A_48 = arith.constant 0 : i32
      %dma_start3A_49 = tpu.memref_slice %arg5[%arg0, %mul3A_44, %dma_start3A_48] : memref<2x10112x16xf32, #tpu.memory_space<hbm>> -> memref<1x632x16xf32, #tpu.memory_space<hbm>>
      %dma_start3A_50 = tpu.memref_squeeze %dma_start3A_49 : memref<1x632x16xf32, #tpu.memory_space<hbm>> -> memref<632x16xf32, #tpu.memory_space<hbm>>
      tpu.enqueue_dma source(%arg10 : memref<632x16xf32, #tpu.memory_space<vmem>>) target(%dma_start3A_50 : memref<632x16xf32, #tpu.memory_space<hbm>>) target_semaphore(%run_scoped3A : memref<!tpu.dma_semaphore, #tpu.memory_space<semaphore_mem>>)
      %dma_wait3A_51 = arith.constant 0 : i32
      %dma_wait3A_52 = tpu.memref_slice %arg5[%arg0, %mul3A_44, %dma_wait3A_51] : memref<2x10112x16xf32, #tpu.memory_space<hbm>> -> memref<1x632x16xf32, #tpu.memory_space<hbm>>
      %dma_wait3A_53 = tpu.memref_squeeze %dma_wait3A_52 : memref<1x632x16xf32, #tpu.memory_space<hbm>> -> memref<632x16xf32, #tpu.memory_space<hbm>>
      %dma_wait3A_54 = arith.constant 0 : i32
      %dma_wait3A_55 = tpu.memref_slice %arg5[%arg0, %mul3A_44, %dma_wait3A_54] : memref<2x10112x16xf32, #tpu.memory_space<hbm>> -> memref<1x632x16xf32, #tpu.memory_space<hbm>>
      %dma_wait3A_56 = tpu.memref_squeeze %dma_wait3A_55 : memref<1x632x16xf32, #tpu.memory_space<hbm>> -> memref<632x16xf32, #tpu.memory_space<hbm>>
      tpu.wait_dma2 semaphore(%run_scoped3A : memref<!tpu.dma_semaphore, #tpu.memory_space<semaphore_mem>>) src(%arg10 : memref<632x16xf32, #tpu.memory_space<vmem>>) dst(%dma_wait3A_56 : memref<632x16xf32, #tpu.memory_space<hbm>>)
      tpu.yield
    }) : () -> ()
    return
  }
}

module attributes {stable_mosaic.version = 14 : i64} {
  func.func @_tc1_body(%arg0: i32, %arg1: memref<400x128xf32, #tpu.memory_space<vmem>>, %arg2: memref<128x16xf32, #tpu.memory_space<vmem>>, %arg3: memref<400x16xf32, #tpu.memory_space<vmem>>, %arg4: memref<400x16xf32, #tpu.memory_space<vmem>>, %arg5: memref<400x16xf32, #tpu.memory_space<vmem>>, %arg6: memref<400x16xf32, #tpu.memory_space<vmem>>) attributes {dimension_semantics = [#tpu.dimension_semantics<arbitrary>], iteration_bounds = array<i64: 25>, scalar_prefetch = 0 : i64, scratch_operands = 0 : i64, tpu.core_type = #tpu.core_type<tc>, window_params = [{transform_indices = @transform_0, window_bounds = array<i64: 400, 128>}, {pipeline_mode = #tpu.pipeline_mode<synchronous>, transform_indices = @transform_1, window_bounds = array<i64: 128, 16>}, {transform_indices = @transform_2, window_bounds = array<i64: 400, 16>}, {transform_indices = @transform_3, window_bounds = array<i64: 400, 16>}, {transform_indices = @transform_4, window_bounds = array<i64: 400, 16>}, {transform_indices = @transform_5, window_bounds = array<i64: 400, 16>}]} {
    %get3A = arith.constant 0 : index
    %get3A_0 = arith.constant 0 : index
    %get3A_1 = vector.load %arg3[%get3A, %get3A_0] : memref<400x16xf32, #tpu.memory_space<vmem>>, vector<400x16xf32>
    %get3A_2 = arith.constant 0 : index
    %get3A_3 = arith.constant 0 : index
    %get3A_4 = vector.load %arg4[%get3A_2, %get3A_3] : memref<400x16xf32, #tpu.memory_space<vmem>>, vector<400x16xf32>
    %add3A = arith.addf %get3A_1, %get3A_4 : vector<400x16xf32>
    %add3A_5 = arith.constant 1.000000e+00 : f32
    %add3A_6 = vector.broadcast %add3A_5 : f32 to vector<400x16xf32>
    %add3A_7 = arith.addf %add3A, %add3A_6 : vector<400x16xf32>
    %rsqrt3A = math.rsqrt %add3A_7 : vector<400x16xf32>
    %get3A_8 = arith.constant 0 : index
    %get3A_9 = arith.constant 0 : index
    %get3A_10 = vector.load %arg1[%get3A_8, %get3A_9] : memref<400x128xf32, #tpu.memory_space<vmem>>, vector<400x128xf32>
    %get3A_11 = arith.constant 0 : index
    %get3A_12 = arith.constant 0 : index
    %get3A_13 = vector.load %arg2[%get3A_11, %get3A_12] : memref<128x16xf32, #tpu.memory_space<vmem>>, vector<128x16xf32>
    %dot_general3A = arith.constant dense<0.000000e+00> : vector<400x16xf32>
    %dot_general3A_14 = tpu.matmul %get3A_10, %get3A_13, %dot_general3A {dimension_numbers = #tpu.dot_dimension_numbers<[1], [0], [0], [1], [0, 0, 1, 1], [], []>, transpose_lhs_hint = false} : vector<400x128xf32>, vector<128x16xf32>, vector<400x16xf32> -> vector<400x16xf32>
    %swap3A = arith.constant 0 : index
    %swap3A_15 = arith.constant 0 : index
    %swap3A_16 = vector.load %arg6[%swap3A, %swap3A_15] : memref<400x16xf32, #tpu.memory_space<vmem>>, vector<400x16xf32>
    tpu.vector_store %arg6[%swap3A, %swap3A_15], %rsqrt3A {strides = array<i32>} : memref<400x16xf32, #tpu.memory_space<vmem>>, vector<400x16xf32>,
    %mul3A = arith.mulf %rsqrt3A, %dot_general3A_14 : vector<400x16xf32>
    %swap3A_17 = arith.constant 0 : index
    %swap3A_18 = arith.constant 0 : index
    %swap3A_19 = vector.load %arg5[%swap3A_17, %swap3A_18] : memref<400x16xf32, #tpu.memory_space<vmem>>, vector<400x16xf32>
    tpu.vector_store %arg5[%swap3A_17, %swap3A_18], %mul3A {strides = array<i32>} : memref<400x16xf32, #tpu.memory_space<vmem>>, vector<400x16xf32>,
    return
  }
  func.func @transform_0(%arg0: i32) -> (i32, i32) {
    %c0_i32 = arith.constant 0 : i32
    %c0_i32_0 = arith.constant 0 : i32
    return %arg0, %c0_i32 : i32, i32
  }
  func.func @transform_1(%arg0: i32) -> (i32, i32) {
    %c0_i32 = arith.constant 0 : i32
    %c0_i32_0 = arith.constant 0 : i32
    %c0_i32_1 = arith.constant 0 : i32
    return %c0_i32, %c0_i32_0 : i32, i32
  }
  func.func @transform_2(%arg0: i32) -> (i32, i32) {
    %c0_i32 = arith.constant 0 : i32
    %c0_i32_0 = arith.constant 0 : i32
    return %arg0, %c0_i32 : i32, i32
  }
  func.func @transform_3(%arg0: i32) -> (i32, i32) {
    %c0_i32 = arith.constant 0 : i32
    %c0_i32_0 = arith.constant 0 : i32
    return %arg0, %c0_i32 : i32, i32
  }
  func.func @transform_4(%arg0: i32) -> (i32, i32) {
    %c0_i32 = arith.constant 0 : i32
    %c0_i32_0 = arith.constant 0 : i32
    return %arg0, %c0_i32 : i32, i32
  }
  func.func @transform_5(%arg0: i32) -> (i32, i32) {
    %c0_i32 = arith.constant 0 : i32
    %c0_i32_0 = arith.constant 0 : i32
    return %arg0, %c0_i32 : i32, i32
  }
}

module attributes {stable_mosaic.version = 14 : i64} {
  func.func @_tc2_body(%arg0: i32, %arg1: memref<400x16xf32, #tpu.memory_space<vmem>>, %arg2: memref<400x16xf32, #tpu.memory_space<vmem>>, %arg3: memref<400x16xf32, #tpu.memory_space<vmem>>, %arg4: memref<400x16xf32, #tpu.memory_space<vmem>>, %arg5: memref<1x16xf32, #tpu.memory_space<vmem>>, %arg6: memref<400x16xf32, #tpu.memory_space<vmem>>) attributes {dimension_semantics = [#tpu.dimension_semantics<arbitrary>], iteration_bounds = array<i64: 25>, scalar_prefetch = 0 : i64, scratch_operands = 0 : i64, tpu.core_type = #tpu.core_type<tc>, window_params = [{transform_indices = @transform_0, window_bounds = array<i64: 400, 16>}, {transform_indices = @transform_1, window_bounds = array<i64: 400, 16>}, {transform_indices = @transform_2, window_bounds = array<i64: 400, 16>}, {transform_indices = @transform_3, window_bounds = array<i64: 400, 16>}, {pipeline_mode = #tpu.pipeline_mode<synchronous>, transform_indices = @transform_4, window_bounds = array<i64: 1, 16>}, {transform_indices = @transform_5, window_bounds = array<i64: 400, 16>}]} {
    %get3A = arith.constant 0 : index
    %get3A_0 = arith.constant 0 : index
    %get3A_1 = vector.load %arg4[%get3A, %get3A_0] : memref<400x16xf32, #tpu.memory_space<vmem>>, vector<400x16xf32>
    %get3A_2 = arith.constant 0 : index
    %get3A_3 = arith.constant 0 : index
    %get3A_4 = vector.load %arg1[%get3A_2, %get3A_3] : memref<400x16xf32, #tpu.memory_space<vmem>>, vector<400x16xf32>
    %get3A_5 = arith.constant 0 : index
    %get3A_6 = arith.constant 0 : index
    %get3A_7 = vector.load %arg2[%get3A_5, %get3A_6] : memref<400x16xf32, #tpu.memory_space<vmem>>, vector<400x16xf32>
    %add3A = arith.addf %get3A_4, %get3A_7 : vector<400x16xf32>
    %get3A_8 = arith.constant 0 : index
    %get3A_9 = arith.constant 0 : index
    %get3A_10 = vector.load %arg3[%get3A_8, %get3A_9] : memref<400x16xf32, #tpu.memory_space<vmem>>, vector<400x16xf32>
    %add3A_11 = arith.addf %add3A, %get3A_10 : vector<400x16xf32>
    %mul3A = arith.mulf %get3A_1, %add3A_11 : vector<400x16xf32>
    %get3A_12 = arith.constant 0 : index
    %get3A_13 = arith.constant 0 : index
    %get3A_14 = vector.load %arg5[%get3A_12, %get3A_13] : memref<1x16xf32, #tpu.memory_space<vmem>>, vector<1x16xf32>
    %add3A_15 = vector.broadcast %get3A_14 : vector<1x16xf32> to vector<400x16xf32>
    %add3A_16 = arith.addf %mul3A, %add3A_15 : vector<400x16xf32>
    %get3A_17 = arith.constant 0 : index
    %get3A_18 = arith.constant 0 : index
    %get3A_19 = vector.load %arg4[%get3A_17, %get3A_18] : memref<400x16xf32, #tpu.memory_space<vmem>>, vector<400x16xf32>
    %max3A = arith.constant 0.000000e+00 : f32
    %max3A_20 = vector.broadcast %max3A : f32 to vector<400x16xf32>
    %max3A_21 = arith.maximumf %add3A_16, %max3A_20 : vector<400x16xf32>
    %mul3A_22 = arith.mulf %get3A_19, %max3A_21 : vector<400x16xf32>
    %swap3A = arith.constant 0 : index
    %swap3A_23 = arith.constant 0 : index
    %swap3A_24 = vector.load %arg6[%swap3A, %swap3A_23] : memref<400x16xf32, #tpu.memory_space<vmem>>, vector<400x16xf32>
    tpu.vector_store %arg6[%swap3A, %swap3A_23], %mul3A_22 {strides = array<i32>} : memref<400x16xf32, #tpu.memory_space<vmem>>, vector<400x16xf32>,
    return
  }
  func.func @transform_0(%arg0: i32) -> (i32, i32) {
    %c0_i32 = arith.constant 0 : i32
    %c0_i32_0 = arith.constant 0 : i32
    return %arg0, %c0_i32 : i32, i32
  }
  func.func @transform_1(%arg0: i32) -> (i32, i32) {
    %c0_i32 = arith.constant 0 : i32
    %c0_i32_0 = arith.constant 0 : i32
    return %arg0, %c0_i32 : i32, i32
  }
  func.func @transform_2(%arg0: i32) -> (i32, i32) {
    %c0_i32 = arith.constant 0 : i32
    %c0_i32_0 = arith.constant 0 : i32
    return %arg0, %c0_i32 : i32, i32
  }
  func.func @transform_3(%arg0: i32) -> (i32, i32) {
    %c0_i32 = arith.constant 0 : i32
    %c0_i32_0 = arith.constant 0 : i32
    return %arg0, %c0_i32 : i32, i32
  }
  func.func @transform_4(%arg0: i32) -> (i32, i32) {
    %c0_i32 = arith.constant 0 : i32
    %c0_i32_0 = arith.constant 0 : i32
    %c0_i32_1 = arith.constant 0 : i32
    return %c0_i32, %c0_i32_0 : i32, i32
  }
  func.func @transform_5(%arg0: i32) -> (i32, i32) {
    %c0_i32 = arith.constant 0 : i32
    %c0_i32_0 = arith.constant 0 : i32
    return %arg0, %c0_i32 : i32, i32
  }
}

module attributes {stable_mosaic.version = 14 : i64} {
  func.func @_tc3_body(%arg0: i32, %arg1: memref<400x16xf32, #tpu.memory_space<vmem>>, %arg2: memref<400x16xf32, #tpu.memory_space<vmem>>, %arg3: memref<400x16xf32, #tpu.memory_space<vmem>>, %arg4: memref<400x16xf32, #tpu.memory_space<vmem>>, %arg5: memref<16x128xf32, #tpu.memory_space<vmem>>, %arg6: memref<1x128xf32, #tpu.memory_space<vmem>>, %arg7: memref<400x128xf32, #tpu.memory_space<vmem>>) attributes {dimension_semantics = [#tpu.dimension_semantics<arbitrary>], iteration_bounds = array<i64: 25>, scalar_prefetch = 0 : i64, scratch_operands = 0 : i64, tpu.core_type = #tpu.core_type<tc>, window_params = [{transform_indices = @transform_0, window_bounds = array<i64: 400, 16>}, {transform_indices = @transform_1, window_bounds = array<i64: 400, 16>}, {transform_indices = @transform_2, window_bounds = array<i64: 400, 16>}, {transform_indices = @transform_3, window_bounds = array<i64: 400, 16>}, {pipeline_mode = #tpu.pipeline_mode<synchronous>, transform_indices = @transform_4, window_bounds = array<i64: 16, 128>}, {pipeline_mode = #tpu.pipeline_mode<synchronous>, transform_indices = @transform_5, window_bounds = array<i64: 1, 128>}, {transform_indices = @transform_6, window_bounds = array<i64: 400, 128>}]} {
    %get3A = arith.constant 0 : index
    %get3A_0 = arith.constant 0 : index
    %get3A_1 = vector.load %arg4[%get3A, %get3A_0] : memref<400x16xf32, #tpu.memory_space<vmem>>, vector<400x16xf32>
    %get3A_2 = arith.constant 0 : index
    %get3A_3 = arith.constant 0 : index
    %get3A_4 = vector.load %arg1[%get3A_2, %get3A_3] : memref<400x16xf32, #tpu.memory_space<vmem>>, vector<400x16xf32>
    %get3A_5 = arith.constant 0 : index
    %get3A_6 = arith.constant 0 : index
    %get3A_7 = vector.load %arg2[%get3A_5, %get3A_6] : memref<400x16xf32, #tpu.memory_space<vmem>>, vector<400x16xf32>
    %add3A = arith.addf %get3A_4, %get3A_7 : vector<400x16xf32>
    %get3A_8 = arith.constant 0 : index
    %get3A_9 = arith.constant 0 : index
    %get3A_10 = vector.load %arg3[%get3A_8, %get3A_9] : memref<400x16xf32, #tpu.memory_space<vmem>>, vector<400x16xf32>
    %add3A_11 = arith.addf %add3A, %get3A_10 : vector<400x16xf32>
    %mul3A = arith.mulf %get3A_1, %add3A_11 : vector<400x16xf32>
    %get3A_12 = arith.constant 0 : index
    %get3A_13 = arith.constant 0 : index
    %get3A_14 = vector.load %arg5[%get3A_12, %get3A_13] : memref<16x128xf32, #tpu.memory_space<vmem>>, vector<16x128xf32>
    %dot_general3A = arith.constant dense<0.000000e+00> : vector<400x128xf32>
    %dot_general3A_15 = tpu.matmul %mul3A, %get3A_14, %dot_general3A {dimension_numbers = #tpu.dot_dimension_numbers<[1], [0], [0], [1], [0, 0, 1, 1], [], []>, transpose_lhs_hint = false} : vector<400x16xf32>, vector<16x128xf32>, vector<400x128xf32> -> vector<400x128xf32>
    %get3A_16 = arith.constant 0 : index
    %get3A_17 = arith.constant 0 : index
    %get3A_18 = vector.load %arg6[%get3A_16, %get3A_17] : memref<1x128xf32, #tpu.memory_space<vmem>>, vector<1x128xf32>
    %add3A_19 = vector.broadcast %get3A_18 : vector<1x128xf32> to vector<400x128xf32>
    %add3A_20 = arith.addf %dot_general3A_15, %add3A_19 : vector<400x128xf32>
    %swap3A = arith.constant 0 : index
    %swap3A_21 = arith.constant 0 : index
    %swap3A_22 = vector.load %arg7[%swap3A, %swap3A_21] : memref<400x128xf32, #tpu.memory_space<vmem>>, vector<400x128xf32>
    tpu.vector_store %arg7[%swap3A, %swap3A_21], %add3A_20 {strides = array<i32>} : memref<400x128xf32, #tpu.memory_space<vmem>>, vector<400x128xf32>,
    return
  }
  func.func @transform_0(%arg0: i32) -> (i32, i32) {
    %c0_i32 = arith.constant 0 : i32
    %c0_i32_0 = arith.constant 0 : i32
    return %arg0, %c0_i32 : i32, i32
  }
  func.func @transform_1(%arg0: i32) -> (i32, i32) {
    %c0_i32 = arith.constant 0 : i32
    %c0_i32_0 = arith.constant 0 : i32
    return %arg0, %c0_i32 : i32, i32
  }
  func.func @transform_2(%arg0: i32) -> (i32, i32) {
    %c0_i32 = arith.constant 0 : i32
    %c0_i32_0 = arith.constant 0 : i32
    return %arg0, %c0_i32 : i32, i32
  }
  func.func @transform_3(%arg0: i32) -> (i32, i32) {
    %c0_i32 = arith.constant 0 : i32
    %c0_i32_0 = arith.constant 0 : i32
    return %arg0, %c0_i32 : i32, i32
  }
  func.func @transform_4(%arg0: i32) -> (i32, i32) {
    %c0_i32 = arith.constant 0 : i32
    %c0_i32_0 = arith.constant 0 : i32
    %c0_i32_1 = arith.constant 0 : i32
    return %c0_i32, %c0_i32_0 : i32, i32
  }
  func.func @transform_5(%arg0: i32) -> (i32, i32) {
    %c0_i32 = arith.constant 0 : i32
    %c0_i32_0 = arith.constant 0 : i32
    %c0_i32_1 = arith.constant 0 : i32
    return %c0_i32, %c0_i32_0 : i32, i32
  }
  func.func @transform_6(%arg0: i32) -> (i32, i32) {
    %c0_i32 = arith.constant 0 : i32
    %c0_i32_0 = arith.constant 0 : i32
    return %arg0, %c0_i32 : i32, i32
  }
}

</mosaic_0001>

<sc_bundles>
// kernel: kernel.11.cloned.1.call-start
scs
__scs_entry_jumppad:
0x0: {  	(pc) =	sbr.rel $0x88, $3  }
0x1: {  	(tag) =	ssettag $0x0;
	lr =	simm.s32 $0x1  }
0x2: {  	[smem:$0x3F9B] =	sst lr;
	_ =	strace $0xD0000000  }
0x3: {  	_ = 	snop  }
0x4: {  	_ = 	snop  }
0x5: {  	_ = 	snop  }
0x6: {  	_ = 	snop  }
0x7: {  	_ = 	snop  }
__scs_overlays_trampoline_lowered:
0x8: {  	[smem:$0x3FAA] =	sst s0  }
0x9: {  	[smem:$0x3FAB] =	sst s1  }
0xa: {  	[smem:$0x3FAC] =	sst s2  }
0xb: {  	[smem:$0x3FAD] =	sst s3  }
0xc: {  	[smem:$0x3FAE] =	sst s4  }
0xd: {  	[smem:$0x3FAF] =	sst s5  }
0xe: {  	[smem:$0x3FB0] =	sst s6  }
0xf: {  	[smem:$0x3FB1] =	sst s7  }
0x10: {  	[smem:$0x3FB2] =	sst s8  }
0x11: {  	[smem:$0x3FB3] =	sst s9;
	s0 =	simm.s32 @!p0 $0x0  }
0x12: {  	s1 =	sld [smem:$0x3F99];
	s0 =	simm.s32 @p0 $0x1  }
0x13: {  	[smem:$0x3FB4] =	sst s0;
	s0 =	simm.s32 @!p1 $0x0  }
0x14: {  	s2 =	sld [smem:$0x3F98];
	s0 =	simm.s32 @p1 $0x1  }
0x15: {  	[smem:$0x3FB5] =	sst s0;
	s0 =	simm.s32 @!p2 $0x0  }
0x16: {  	s3 =	sld [smem:$0x3FDB];
	s0 =	simm.s32 @p2 $0x1  }
0x17: {  	s4 =	simm.s32 $0x1BF5;
	[smem:$0x3FB7] =	sst s0  }
0x18: {  	s0 =	sld [smem:$0x3F9A];
	_ =	swait.ge [sflag:s4], $0x0  }
0x19: {  	s7 =	sld [smem:$0x3F9B]  }
0x1a: {  	s8 =	sadd.s32 $0xFFFFE003, lr  }
0x1b: {  	s9 =	sadd.s32 $0xFFFFFEF7, lr;
	s5 =	simm.s32 $0xFFFFFFFF;
	p2 =	slt.u32 s8, $0xFFFFF086  }
0x1c: {  	p1 =	slt.u32 s9, $0xF7A;
	s5 =	simm.s32 @!p2 $0x0  }
0x1d: {  	s5 =	simm.s32 @p1 $0x1;
	p0 =	seq.s32 s7, s2  }
0x1e: {  	s7 =	smul.u32 @!p0 $0xF7A, s2;
	p2 =	seq.s32 @!p0 s5, $0x0  }
0x1f: {  	s9 =	smul.u32 $0xF7A, s1;
	s8 =	simm.s32 @!p0 $0x1BF5;
	p2 =	por !p2, p0  }
0x20: {  	[sflag:s8] =	ssyncset.s32 @!p0 $0xFFFFF086;
	s6 =	sadd.s32 @!p0 s3, s7;
	s7 =	simm.s32 @!p0 $0x108  }
0x21: {  	s3 =	sadd.s32 s3, s9;
	s6 =	sadd.s32 @!p0 $0x88, s6;
	s7 =	simm.s32 @p2 $0x1082  }
0x22: {  	[simem:s7], [sflag:s8] =	dma.local @!p0 [hbm:s6], $0xF7A  }
0x23: {  	s9 =	sor.u32 $0xD0000000, s2;
	s6 =	simm.s32 $0x108;
	_ =	swait.ge @!p0 [sflag:s8], $0x0  }
0x24: {  	s3 =	sadd.s32 $0x88, s3;
	s6 =	simm.s32 @!p1 $0x1082;
	[sflag:s4] =	ssyncset.s32 $0xFFFFF086  }
0x25: {  	[simem:s6], [sflag:s4] =	dma.local [hbm:s3], $0xF7A  }
0x26: {  	[smem:$0x3F9B] =	sst s1;
	(tag) =	ssettag s2;
	_ =	strace s9  }
0x27: {  	s1 =	sld [smem:$0x3FAB]  }
0x28: {  	s2 =	sld [smem:$0x3FAC]  }
0x29: {  	s4 =	sld [smem:$0x3FAE]  }
0x2a: {  	p0 =	seq.s32 s5, $0x0;
	s5 =	sld [smem:$0x3FAF]  }
0x2b: {  	s6 =	sld [smem:$0x3FB0]  }
0x2c: {  	s7 =	sld [smem:$0x3FB1]  }
0x2d: {  	s3 =	simm.s32 $0x108;
	s8 =	sld [smem:$0x3FB2]  }
0x2e: {  	s3 =	simm.s32 @!p0 $0x1082;
	s9 =	sld [smem:$0x3FB3]  }
0x2f: {  	lr =	sadd.s32 s0, s3;
	s0 =	sld [smem:$0x3FAA]  }
0x30: {  	s3 =	sld [smem:$0x3FAD]  }
0x31: {  	[smem:$0x3FB6] =	sst s10  }
0x32: {  	s10 =	sld [smem:$0x3FB4];
	_ =	sdelay $0x3  }
0x33: {  	p0 =	seq.s32 s10, $0x1;
	s10 =	sld [smem:$0x3FB6];
	_ =	sdelay $0x3  }
0x34: {  	[smem:$0x3FB6] =	sst s10  }
0x35: {  	s10 =	sld [smem:$0x3FB5];
	_ =	sdelay $0x3  }
0x36: {  	p1 =	seq.s32 s10, $0x1;
	s10 =	sld [smem:$0x3FB6];
	_ =	sdelay $0x3  }
0x37: {  	[smem:$0x3FB6] =	sst s10  }
0x38: {  	s10 =	sld [smem:$0x3FB7]  }
0x39: {  	_ = 	snop;
	(pc) =	sbr.ind lr, $3  }
0x3a: {  	_ = 	snop  }
0x3b: {  	_ = 	snop  }
0x3c: {  	p2 =	seq.s32 s10, $0x1;
	s10 =	sld [smem:$0x3FB6]  }
0x3d: {  	_ =	shalt  }
0x3e: {  	_ =	shalt  }
0x3f: {  	_ =	shalt  }
0x40: {  	_ =	shalt  }
0x41: {  	_ =	shalt  }
0x42: {  	_ =	shalt  }
0x43: {  	_ =	shalt  }
0x44: {  	_ =	shalt  }
0x45: {  	_ =	shalt  }
0x46: {  	_ =	shalt  }
0x47: {  	_ =	shalt  }
0x48: {  	_ =	shalt  }
0x49: {  	_ =	shalt  }
0x4a: {  	_ =	shalt  }
0x4b: {  	_ =	shalt  }
0x4c: {  	_ =	shalt  }
0x4d: {  	_ =	shalt  }
0x4e: {  	_ =	shalt  }
0x4f: {  	_ =	shalt  }
0x50: {  	_ =	shalt  }
0x51: {  	_ =	shalt  }
0x52: {  	_ =	shalt  }
0x53: {  	_ =	shalt  }
0x54: {  	_ =	shalt  }
0x55: {  	_ =	shalt  }
0x56: {  	_ =	shalt  }
0x57: {  	_ =	shalt  }
0x58: {  	_ =	shalt  }
0x59: {  	_ =	shalt  }
0x5a: {  	_ =	shalt  }
0x5b: {  	_ =	shalt  }
0x5c: {  	_ =	shalt  }
0x5d: {  	_ =	shalt  }
0x5e: {  	_ =	shalt  }
0x5f: {  	_ =	shalt  }
0x60: {  	_ =	shalt  }
0x61: {  	_ =	shalt  }
0x62: {  	_ =	shalt  }
0x63: {  	_ =	shalt  }
0x64: {  	_ =	shalt  }
0x65: {  	_ =	shalt  }
0x66: {  	_ =	shalt  }
0x67: {  	_ =	shalt  }
0x68: {  	_ =	shalt  }
0x69: {  	_ =	shalt  }
0x6a: {  	_ =	shalt  }
0x6b: {  	_ =	shalt  }
0x6c: {  	_ =	shalt  }
0x6d: {  	_ =	shalt  }
0x6e: {  	_ =	shalt  }
0x6f: {  	_ =	shalt  }
0x70: {  	_ =	shalt  }
0x71: {  	_ =	shalt  }
0x72: {  	_ =	shalt  }
0x73: {  	_ =	shalt  }
0x74: {  	_ =	shalt  }
0x75: {  	_ =	shalt  }
0x76: {  	_ =	shalt  }
0x77: {  	_ =	shalt  }
0x78: {  	_ =	shalt  }
0x79: {  	_ =	shalt  }
0x7a: {  	_ =	shalt  }
0x7b: {  	_ =	shalt  }
0x7c: {  	_ =	shalt  }
0x7d: {  	_ =	shalt  }
0x7e: {  	_ =	shalt  }
0x7f: {  	_ =	shalt  }
0x80: {  	_ =	shalt  }
0x81: {  	_ =	shalt  }
0x82: {  	_ =	shalt  }
0x83: {  	_ =	shalt  }
0x84: {  	_ =	shalt  }
0x85: {  	_ =	shalt  }
0x86: {  	_ =	shalt  }
0x87: {  	_ =	shalt  }
.Lfunc_end0:
.L_simem_size_0:
called_computation.1_lowered:
.L_overlay_start_0:
0x88: {  	s2 =	sld [smem:$0x3FD9]  }
0x89: {  	s3 =	sld [smem:$0x3FFE];
	_ =	sdelay $0x1  }
0x8a: {  	s1 =	srdreg.scid  }
0x8b: {  	s0 =	sand.u32 $0x1, s1  }
0x8c: {  	s16 =	sshll.u32 s0, $0xA;
	s2 =	sadd.s32 s3, s2  }
0x8d: {  	s2 =	sadd.s32 s2, s16  }
0x8e: {  	[smem:$0x3FC2] =	sst s2  }
0x8f: {  	_ = 	snop  }
0x90: {  	(tm) =	ssettm $0x1  }
0x91: {  	s17 =	sld [smem:$0x3FFB];
	_ =	sdelay $0x3  }
0x92: {  	_ =	strace s17  }
0x93: {  	s2 =	sld [smem:$0x3FFC];
	_ =	sdelay $0x3  }
0x94: {  	_ =	strace s2  }
0x95: {  	s2 =	sld [smem:$0x3FFD];
	_ =	sdelay $0x3  }
0x96: {  	_ =	strace s2  }
0x97: {  	_ =	strace $0x8FFFFFFF  }
0x98: {  	s18 =	sld [smem:$0x3FDB];
	_ =	sdelay $0x1  }
0x99: {  	s19 =	simm.s32 $_scs_section_size  }
0x9a: {  	s4 =	simm.s32 $_size__tile_overlayer_lowered;
	s5 =	simm.s32 $_tile_overlayer_lowered  }
0x9b: {  	s22 =	simm.s32 $0x1BFF;
	s21 =	sshll.u32 s5, $0x1;
	s2 =	sadd.s32 s19, s18  }
0x9c: {  	s6 =	simm.s32 $0x0;
	s20 =	sshll.u32 s4, $0x1;
	s4 =	sadd.s32 s21, s2  }
0x9d: {  	[timem:s6], [sflag:s22] =	dma.local [hbm:s4], s20  }
0x9e: {  	_ =	swait.ge [sflag:s22], s20  }
0x9f: {  	s3 =	ssub.s32 $0x0, s20;
	[sflag:s22] =	ssyncset.done $0x0  }
0xa0: {  	[sflag:s22] =	ssyncadd.s32 s3;
	_ =	sdelay $0x1  }
0xa1: {  	s23 =	simm.s32 $0x1B8B  }
0xa2: {  	_ =	swait.ge [sflag:s23], $0x1  }
0xa3: {  	[sflag:s23] =	ssyncset.done $0x0  }
0xa4: {  	s25 =	simm.s32 $0x1B8E;
	s24 =	sld [smem:$0x3FFE];
	[sflag:s23] =	ssyncadd.s32 $0xFFFFFFFF  }
0xa5: {  	s26 =	simm.s32 $execute0_lowered;
	[smem:$0x3FD2] =	sst s25  }
0xa6: {  	s4 =	sshll.u32 s26, $0x1;
	_ =	strace $0x80000049;
	[dreg:$0x1] =	wrdreg $0xFFFFFFFF  }
0xa7: {  	s28 =	simm.s32 $_size_execute0_lowered;
	s2 =	sadd.s32 s2, s4;
	[dreg:$0x0] =	wrdreg $0x0  }
0xa8: {  	s4 =	sshll.u32 s28, $0x1;
	[dreg:$0x2] =	wrdreg s2  }
0xa9: {  	[dreg:$0x3] =	wrdreg s4  }
0xaa: {  	[dreg:$0x4] =	wrdreg $0xC0  }
0xab: {  	_ =	task [dreg:s6], $0x5FFFF  }
0xac: {  	[dreg:$0x1] =	wrdreg $0xFFFFFFFF  }
0xad: {  	[dreg:$0x0] =	wrdreg $0x60  }
0xae: {  	[dreg:$0x2] =	wrdreg s24  }
0xaf: {  	[dreg:$0x3] =	wrdreg $0x89F80  }
0xb0: {  	[dreg:$0x4] =	wrdreg $0x9  }
0xb1: {  	_ =	task.clear_ibuf [dreg:s6], $0x5FFFF;
	_ =	strace $0x90000049  }
0xb2: {  	s29 =	simm.s32 $0x9;
	_ =	strace $0x8000004B  }
0xb3: {  	_ =	swait.ge [sflag:s29], $0x1  }
0xb4: {  	[sflag:s29] =	ssyncadd.s32 $0xFFFFFFFF  }
0xb5: {  	_ =	strace $0x9000004B  }
0xb6: {  	_ =	sfence  }
0xb7: {  	s30 =	sld [smem:$0x0];
	_ =	sdelay $0x2  }
0xb8: {  	s31 =	sshll.u32 s1, $0xD;
	s1 =	sshrl.u32 s1, $0x2  }
0xb9: {  	s3 =	sand.u32 $0x4000, s31;
	s1 =	sadd.s32 s1, s30  }
0xba: {  	s0 =	sor.u32 s3, s0;
	s1 =	sshll.u32 s1, $0x11  }
0xbb: {  	s0 =	sor.u32 s1, s0  }
0xbc: {  	s0 =	sadd.s32 $0x8F2B, s0  }
0xbd: {  	[sflag:s0] =	ssyncadd.remote.s32 $0x1  }
0xbe: {  	_ =	sfence.sel $0xFFFF  }
0xbf: {  	[dreg:$0x0] =	wrdreg $0xFFFFFFFF;
	(pc) =	sbr.abs _section_cstart, $3  }
0xc0: {  	[dreg:$0x1] =	wrdreg $0xFFFFFFFF  }
0xc1: {  	_ =	task.clear_ibuf [dreg:s6], $0x2FFFF;
	_ =	strace $0x9FFFFFFF  }
0xc2: {  	(tm) =	ssettm $0x7FFFFFFF  }
0xc3: {  	_ =	shalt  }
tec
execute0_lowered:
.L_overlay_start_1:
0x0: {  	(tag) =	ssettag $0x1  }
0x1: {  	s1 =	srdreg.scid;
	s6 =	rddreg [dreg:$0x0]  }
0x2: {  	s0 =	stileid.u32;
	s2 =	rddreg [dreg:$0x1];
	s3 =	simm.s32 $0x0  }
0x3: {  	s11 =	simm.s32 $0x8780;
	s12 =	simm.s32 $0x6000;
	s13 =	simm.s32 $0x2  }
0x4: {  	s14 =	simm.s32 $0x2800;
	s15 =	simm.s32 $0x80;
	s16 =	simm.s32 $0x5000  }
0x5: {  	s17 =	simm.s32 $0x1;
	s18 =	simm.s32 $0x5800;
	s19 =	simm.s32 $0x2780  }
0x6: {  	s21 =	simm.s32 $0x4F80;
	s4 =	sand.u32 $0x1, s1;
	s8 =	smul.u32 $0x2780, s0  }
0x7: {  	s29 =	sshll.u32 s0, $0x1;
	[smem:$0x7FF] =	sst s3;
	s7 =	smul.u32 $0x27800, s4  }
0x8: {  	s1 =	sor.u32 s4, s29;
	s31 =	ssub.s32 $0x2, s4;
	s4 =	smul.u32 $0x278, s0  }
0x9: {  	s22 =	simm.s32 $0x0;
	s5 =	smul.u32 $0x500, s1;
	s1 =	rddreg [dreg:$0x2]  }
0xa: {  	_ =	strace $0x8000004A;
	s10 =	sshrl.u32 s31, $0x1;
	s30 =	sadd.s32 s8, s7  }
0xb: {  	v0 =	vlaneseq.u32;
	s10 =	ssub.s32 s31, s10;
	s20 =	sadd.s32 $0x268, s4;
	s9 =	sadd.s32 s5, s6  }
0xc: {  	s8 =	sshrl.u32 s30, $0x3;
	s5 =	sadd.s32 $0x16800, s6;
	v1 =	vadd.s32 s20, v0;
	s20 =	simm.s32 $0x4F00  }
0xd: {  	s8 =	sadd.s32 s8, s6;
	s6 =	sadd.s32 $0xC800, s9;
	s7 =	sadd.s32 $0x2800, s9  }
0xe: {  	v2 =	vimm.f32 $0.0e+00;
	s9 =	smax.u32 s10, $0x1;
	s10 =	simm.s32 $0x278;
	s8 =	sadd.s32 $0x1B800, s8  }
.LBB2_1:
0xf: {  	s23 =	simm.s32 $0x40;
	v3 =	vadd.s32 s4, v0;
	s25 =	simm.s32 $0x0;
	s24 =	smov.u32 s4  }
.LBB2_2:
0x10: {  	p0 =	sne.s32 s23, $0x980  }
0x11: {  	[tilespmem:s25+$0x8780] =	vst v3;
	s24 =	sadd.s32 $0x10, s24;
	s25 =	smov.u32 s23;
	s23 =	sadd.s32 $0x40, s23  }
.Ltmp0:
0x12: {  	(pc) =	sbr.rel @p0 .LBB2_2-.Ltmp0, $2  }
0x13: {  	_ =	sdelay $0x2  }
0x14: {  	v3 =	vadd.s32 s24, v0;
	s25 =	sshra.s32 s25, $0x2  }
0x15: {  	[tilespmem:s25+$0x8780] =	vst v3  }
0x16: {  	s23 =	simm.s32 $0x40;
	s24 =	simm.s32 $0x0;
	[tilespmem:$0x89E8] =	vst v1  }
.LBB2_4:
0x17: {  	p0 =	sne.s32 s23, $0x9DC0;
	[tilespmem:s24+$0x6000] =	vst v2;
	s24 =	smov.u32 s23;
	s23 =	sadd.s32 $0x40, s23  }
.Ltmp1:
0x18: {  	(pc) =	sbr.rel @p0 .LBB2_4-.Ltmp1, $2  }
0x19: {  	_ =	sdelay $0x2  }
0x1a: {  	s24 =	sshra.s32 s24, $0x2  }
0x1b: {  	[tilespmem:s24+$0x6000] =	vst v2  }
0x1c: {  	[spmem:s2] =	stream.indirect.scatter [tilespmem:s12], [sflag:$0x2], $0x10, s11, s10, $0xb8;
	[tilespmem:$0xB178] =	vst v63  }
0x1d: {  	_ =	swait.ge [sflag:s13], $0x2780  }
0x1e: {  	[sflag:s13] =	ssyncset.done $0x0  }
0x1f: {  	s23 =	simm.s32 $0x0;
	[sflag:s13] =	ssyncadd.s32 $0xFFFFD880  }
0x20: {  	[tilespmem:s23], [sflag:$0x2] =	stream.linear.gather [hbm4b:s6+s23], $0x2800, $0x38;
	[tilespmem:$0xB178] =	vst v63  }
0x21: {  	_ =	swait.ge [sflag:s13], $0x2800  }
0x22: {  	[sflag:s13] =	ssyncset.done $0x0  }
0x23: {  	[sflag:s13] =	ssyncadd.s32 $0xFFFFD800  }
0x24: {  	[tilespmem:s14], [sflag:$0x2] =	stream.linear.gather [hbm4b:s7+s23], $0x2800, $0x38;
	[tilespmem:$0xB178] =	vst v63  }
0x25: {  	_ =	swait.ge [sflag:s13], $0x2800  }
0x26: {  	[sflag:s13] =	ssyncset.done $0x0  }
0x27: {  	[sflag:s13] =	ssyncadd.s32 $0xFFFFD800  }
0x28: {  	[bflag:$0x0] =	sbarrier.arrive $0xFFFF  }
0x29: {  	[tilespmem:s16], [sflag:$0x1] =	stream.indirect.gather [hbm4b:s5+s15], $0x10, s23, s15, $0xb8;
	[tilespmem:$0xB178] =	vst v63  }
0x2a: {  	_ =	swait.ge [sflag:s17], $0x800  }
0x2b: {  	[sflag:s17] =	ssyncset.done $0x0  }
0x2c: {  	s28 =	simm.s32 $0x80;
	[sflag:s17] =	ssyncadd.s32 $0xFFFFF800  }
0x2d: {  	[tilespmem:s18], [sflag:$0x1] =	stream.indirect.gather [hbm4b:s5+s15], $0x10, s28, s15, $0xb8;
	[tilespmem:$0xB178] =	vst v63  }
0x2e: {  	s29 =	simm.s32 $0x2800  }
0x2f: {  	[spmem:s2] =	stream.indirect.scatter.add.f32 [tilespmem:s16], [sflag:$0x2], $0x10, s29, s15, $0xb8;
	[tilespmem:$0xB178] =	vst v63  }
0x30: {  	_ =	swait.ge [sflag:s13], $0x800  }
0x31: {  	[sflag:s13] =	ssyncset.done $0x0  }
0x32: {  	[sflag:s13] =	ssyncadd.s32 $0xFFFFF800  }
0x33: {  	_ =	swait.ge [sflag:s17], $0x800  }
0x34: {  	[sflag:s17] =	ssyncset.done $0x0  }
0x35: {  	s30 =	simm.s32 $0x100;
	[sflag:s17] =	ssyncadd.s32 $0xFFFFF800  }
0x36: {  	[tilespmem:s16], [sflag:$0x1] =	stream.indirect.gather [hbm4b:s5+s15], $0x10, s30, s15, $0xb8;
	[tilespmem:$0xB178] =	vst v63  }
0x37: {  	s31 =	simm.s32 $0x2880  }
0x38: {  	[spmem:s2] =	stream.indirect.scatter.add.f32 [tilespmem:s18], [sflag:$0x2], $0x10, s31, s15, $0xb8;
	[tilespmem:$0xB178] =	vst v63  }
0x39: {  	_ =	swait.ge [sflag:s13], $0x800  }
0x3a: {  	s23 =	simm.s32 $0x400;
	[sflag:s13] =	ssyncset.done $0x0  }
.LBB2_6:
0x3b: {  	p0 =	sne.s32 s23, $0x9800  }
0x3c: {  	[sflag:s13] =	ssyncadd.s32 $0xFFFFF800;
	s24 =	smov.u32 s23;
	s23 =	sadd.s32 $0x400, s23  }
0x3d: {  	_ = 	snop  }
0x3e: {  	_ =	swait.ge [sflag:s17], $0x800  }
0x3f: {  	s24 =	sshra.s32 s24, $0x2;
	[sflag:s17] =	ssyncset.done $0x0  }
0x40: {  	s25 =	sadd.s32 $0x80, s24;
	[sflag:s17] =	ssyncadd.s32 $0xFFFFF800  }
0x41: {  	[tilespmem:s18], [sflag:$0x1] =	stream.indirect.gather [hbm4b:s5+s15], $0x10, s25, s15, $0xb8;
	[tilespmem:$0xB178] =	vst v63  }
0x42: {  	s25 =	sadd.s32 $0x2800, s24  }
0x43: {  	[spmem:s2] =	stream.indirect.scatter.add.f32 [tilespmem:s16], [sflag:$0x2], $0x10, s25, s15, $0xb8;
	[tilespmem:$0xB178] =	vst v63  }
0x44: {  	_ =	swait.ge [sflag:s13], $0x800  }
0x45: {  	[sflag:s13] =	ssyncset.done $0x0  }
0x46: {  	[sflag:s13] =	ssyncadd.s32 $0xFFFFF800  }
0x47: {  	_ =	swait.ge [sflag:s17], $0x800  }
0x48: {  	[sflag:s17] =	ssyncset.done $0x0  }
0x49: {  	s25 =	sadd.s32 $0x100, s24;
	[sflag:s17] =	ssyncadd.s32 $0xFFFFF800  }
0x4a: {  	[tilespmem:s16], [sflag:$0x1] =	stream.indirect.gather [hbm4b:s5+s15], $0x10, s25, s15, $0xb8;
	[tilespmem:$0xB178] =	vst v63  }
.Ltmp2:
0x4b: {  	_ = 	snop;
	(pc) =	sbr.rel @p0 .LBB2_6-.Ltmp2, $4  }
0x4c: {  	s24 =	sadd.s32 $0x2880, s24  }
0x4d: {  	[spmem:s2] =	stream.indirect.scatter.add.f32 [tilespmem:s18], [sflag:$0x2], $0x10, s24, s15, $0xb8;
	[tilespmem:$0xB178] =	vst v63  }
0x4e: {  	_ =	swait.ge [sflag:s13], $0x800  }
0x4f: {  	[sflag:s13] =	ssyncset.done $0x0  }
0x50: {  	[sflag:s13] =	ssyncadd.s32 $0xFFFFF800  }
0x51: {  	_ =	swait.ge [sflag:s17], $0x800  }
0x52: {  	[sflag:s17] =	ssyncset.done $0x0  }
0x53: {  	[sflag:s17] =	ssyncadd.s32 $0xFFFFF800  }
0x54: {  	[tilespmem:s18], [sflag:$0x1] =	stream.indirect.gather [hbm4b:s5+s15], $0x10, s19, s15, $0xb8;
	[tilespmem:$0xB178] =	vst v63  }
0x55: {  	_ = 	snop  }
0x56: {  	[spmem:s2] =	stream.indirect.scatter.add.f32 [tilespmem:s16], [sflag:$0x2], $0x10, s20, s15, $0xb8;
	[tilespmem:$0xB178] =	vst v63  }
0x57: {  	_ =	swait.ge [sflag:s13], $0x800  }
0x58: {  	[sflag:s13] =	ssyncset.done $0x0  }
0x59: {  	[sflag:s13] =	ssyncadd.s32 $0xFFFFF800  }
0x5a: {  	_ =	swait.ge [sflag:s17], $0x800  }
0x5b: {  	[sflag:s17] =	ssyncset.done $0x0  }
0x5c: {  	[sflag:s17] =	ssyncadd.s32 $0xFFFFF800  }
0x5d: {  	[tilespmem:s16], [sflag:$0x1] =	stream.indirect.gather [hbm4b:s5+s15], $0x10, s3, s15, $0xb8;
	[tilespmem:$0xB178] =	vst v63  }
0x5e: {  	_ = 	snop  }
0x5f: {  	[spmem:s2] =	stream.indirect.scatter.add.f32 [tilespmem:s18], [sflag:$0x2], $0x10, s21, s15, $0xb8;
	[tilespmem:$0xB178] =	vst v63  }
0x60: {  	_ =	swait.ge [sflag:s13], $0x800  }
0x61: {  	[sflag:s13] =	ssyncset.done $0x0  }
0x62: {  	[sflag:s13] =	ssyncadd.s32 $0xFFFFF800  }
0x63: {  	_ =	swait.ge [sflag:s17], $0x800  }
0x64: {  	[sflag:s17] =	ssyncset.done $0x0  }
0x65: {  	[sflag:s17] =	ssyncadd.s32 $0xFFFFF800  }
0x66: {  	[bflag:$0x0] =	sbarrier.arrive $0xFFFF  }
0x67: {  	[tilespmem:s12], [sflag:$0x2] =	stream.indirect.gather [spmem:s2], $0x10, s11, s10, $0xb8;
	[tilespmem:$0xB178] =	vst v63  }
0x68: {  	s22 =	sadd.s32 $0x1, s22;
	_ =	swait.ge [sflag:s13], $0x2780  }
0x69: {  	p0 =	sne.s32 s22, s9;
	[sflag:s13] =	ssyncset.done $0x0  }
.Ltmp3:
0x6a: {  	[sflag:s13] =	ssyncadd.s32 $0xFFFFD880;
	(pc) =	sbr.rel @p0 .LBB2_1-.Ltmp3, $4  }
0x6b: {  	[hbm4b:s8+s3] =	stream.linear.scatter [tilespmem:s12], [sflag:$0x2], $0x2780, $0x38;
	[tilespmem:$0xB178] =	vst v63  }
0x6c: {  	_ =	swait.ge [sflag:s13], $0x2780  }
0x6d: {  	[sflag:s13] =	ssyncset.done $0x0  }
0x6e: {  	[sflag:s13] =	ssyncadd.s32 $0xFFFFD880  }
0x6f: {  	_ =	sfence.sel $0x180000  }
0x70: {  	[bflag:$0x0] =	sbarrier.arrive $0xFFFF  }
0x71: {  	p0 =	sne.s32 s0, $0x0;
	_ =	strace $0x9000004A  }
0x72: {  	s0 =	sadd.s32 @!p0 $0x100000, s1;
	[bflag:$0x2] =	sbarrier.arrive $0xFFFF  }
0x73: {  	[sflag:s0] =	ssyncadd.tile.s32 @!p0 $0x1;
	_ =	shalt  }
.Lfunc_end2:
_tile_overlayer_lowered:
.L_overlay_start_2:
0x74: {  	(tag) =	ssettag $0x2  }
0x75: {  	s0 =	rddreg [dreg:$0x0];
	s2 =	stileid.u32  }
0x76: {  	s1 =	rddreg [dreg:$0x1];
	p0 =	sne.s32 s2, $0x0  }
0x77: {  	s3 =	rddreg [dreg:$0x2];
	[bflag:$0x3] =	sbarrier.arrive $0xFFFF;
	s2 =	simm.s32 @!p0 $0x1C02  }
0x78: {  	[timem:s3], [sflag:s2] =	dma.local @!p0 [hbm:s0], s1  }
0x79: {  	s0 =	simm.s32 @!p0 $0x2  }
0x7a: {  	_ =	swait.ge @!p0 [sflag:s0], s1  }
0x7b: {  	s1 =	ssub.s32 @!p0 $0x0, s1;
	[sflag:s0] =	ssyncset.done @!p0 $0x0  }
0x7c: {  	[sflag:s0] =	ssyncadd.s32 @!p0 s1  }
0x7d: {  	[bflag:$0x3] =	sbarrier.arrive $0xFFFF  }
0x7e: {  	_ =	shalt  }

// kernel: kernel.14.cloned.1.call-start
scs
__scs_entry_jumppad:
0x0: {  	(pc) =	sbr.rel $0x88, $3  }
0x1: {  	(tag) =	ssettag $0x0;
	lr =	simm.s32 $0x1  }
0x2: {  	[smem:$0x3F9B] =	sst lr;
	_ =	strace $0xD0000000  }
0x3: {  	_ = 	snop  }
0x4: {  	_ = 	snop  }
0x5: {  	_ = 	snop  }
0x6: {  	_ = 	snop  }
0x7: {  	_ = 	snop  }
__scs_overlays_trampoline_lowered:
0x8: {  	[smem:$0x3FAA] =	sst s0  }
0x9: {  	[smem:$0x3FAB] =	sst s1  }
0xa: {  	[smem:$0x3FAC] =	sst s2  }
0xb: {  	[smem:$0x3FAD] =	sst s3  }
0xc: {  	[smem:$0x3FAE] =	sst s4  }
0xd: {  	[smem:$0x3FAF] =	sst s5  }
0xe: {  	[smem:$0x3FB0] =	sst s6  }
0xf: {  	[smem:$0x3FB1] =	sst s7  }
0x10: {  	[smem:$0x3FB2] =	sst s8  }
0x11: {  	[smem:$0x3FB3] =	sst s9;
	s0 =	simm.s32 @!p0 $0x0  }
0x12: {  	s1 =	sld [smem:$0x3F99];
	s0 =	simm.s32 @p0 $0x1  }
0x13: {  	[smem:$0x3FB4] =	sst s0;
	s0 =	simm.s32 @!p1 $0x0  }
0x14: {  	s2 =	sld [smem:$0x3F98];
	s0 =	simm.s32 @p1 $0x1  }
0x15: {  	[smem:$0x3FB5] =	sst s0;
	s0 =	simm.s32 @!p2 $0x0  }
0x16: {  	s3 =	sld [smem:$0x3FDB];
	s0 =	simm.s32 @p2 $0x1  }
0x17: {  	s4 =	simm.s32 $0x1BF5;
	[smem:$0x3FB7] =	sst s0  }
0x18: {  	s0 =	sld [smem:$0x3F9A];
	_ =	swait.ge [sflag:s4], $0x0  }
0x19: {  	s7 =	sld [smem:$0x3F9B]  }
0x1a: {  	s8 =	sadd.s32 $0xFFFFE003, lr  }
0x1b: {  	s9 =	sadd.s32 $0xFFFFFEF7, lr;
	s5 =	simm.s32 $0xFFFFFFFF;
	p2 =	slt.u32 s8, $0xFFFFF086  }
0x1c: {  	p1 =	slt.u32 s9, $0xF7A;
	s5 =	simm.s32 @!p2 $0x0  }
0x1d: {  	s5 =	simm.s32 @p1 $0x1;
	p0 =	seq.s32 s7, s2  }
0x1e: {  	s7 =	smul.u32 @!p0 $0xF7A, s2;
	p2 =	seq.s32 @!p0 s5, $0x0  }
0x1f: {  	s9 =	smul.u32 $0xF7A, s1;
	s8 =	simm.s32 @!p0 $0x1BF5;
	p2 =	por !p2, p0  }
0x20: {  	[sflag:s8] =	ssyncset.s32 @!p0 $0xFFFFF086;
	s6 =	sadd.s32 @!p0 s3, s7;
	s7 =	simm.s32 @!p0 $0x108  }
0x21: {  	s3 =	sadd.s32 s3, s9;
	s6 =	sadd.s32 @!p0 $0x88, s6;
	s7 =	simm.s32 @p2 $0x1082  }
0x22: {  	[simem:s7], [sflag:s8] =	dma.local @!p0 [hbm:s6], $0xF7A  }
0x23: {  	s9 =	sor.u32 $0xD0000000, s2;
	s6 =	simm.s32 $0x108;
	_ =	swait.ge @!p0 [sflag:s8], $0x0  }
0x24: {  	s3 =	sadd.s32 $0x88, s3;
	s6 =	simm.s32 @!p1 $0x1082;
	[sflag:s4] =	ssyncset.s32 $0xFFFFF086  }
0x25: {  	[simem:s6], [sflag:s4] =	dma.local [hbm:s3], $0xF7A  }
0x26: {  	[smem:$0x3F9B] =	sst s1;
	(tag) =	ssettag s2;
	_ =	strace s9  }
0x27: {  	s1 =	sld [smem:$0x3FAB]  }
0x28: {  	s2 =	sld [smem:$0x3FAC]  }
0x29: {  	s4 =	sld [smem:$0x3FAE]  }
0x2a: {  	p0 =	seq.s32 s5, $0x0;
	s5 =	sld [smem:$0x3FAF]  }
0x2b: {  	s6 =	sld [smem:$0x3FB0]  }
0x2c: {  	s7 =	sld [smem:$0x3FB1]  }
0x2d: {  	s3 =	simm.s32 $0x108;
	s8 =	sld [smem:$0x3FB2]  }
0x2e: {  	s3 =	simm.s32 @!p0 $0x1082;
	s9 =	sld [smem:$0x3FB3]  }
0x2f: {  	lr =	sadd.s32 s0, s3;
	s0 =	sld [smem:$0x3FAA]  }
0x30: {  	s3 =	sld [smem:$0x3FAD]  }
0x31: {  	[smem:$0x3FB6] =	sst s10  }
0x32: {  	s10 =	sld [smem:$0x3FB4];
	_ =	sdelay $0x3  }
0x33: {  	p0 =	seq.s32 s10, $0x1;
	s10 =	sld [smem:$0x3FB6];
	_ =	sdelay $0x3  }
0x34: {  	[smem:$0x3FB6] =	sst s10  }
0x35: {  	s10 =	sld [smem:$0x3FB5];
	_ =	sdelay $0x3  }
0x36: {  	p1 =	seq.s32 s10, $0x1;
	s10 =	sld [smem:$0x3FB6];
	_ =	sdelay $0x3  }
0x37: {  	[smem:$0x3FB6] =	sst s10  }
0x38: {  	s10 =	sld [smem:$0x3FB7]  }
0x39: {  	_ = 	snop;
	(pc) =	sbr.ind lr, $3  }
0x3a: {  	_ = 	snop  }
0x3b: {  	_ = 	snop  }
0x3c: {  	p2 =	seq.s32 s10, $0x1;
	s10 =	sld [smem:$0x3FB6]  }
0x3d: {  	_ =	shalt  }
0x3e: {  	_ =	shalt  }
0x3f: {  	_ =	shalt  }
0x40: {  	_ =	shalt  }
0x41: {  	_ =	shalt  }
0x42: {  	_ =	shalt  }
0x43: {  	_ =	shalt  }
0x44: {  	_ =	shalt  }
0x45: {  	_ =	shalt  }
0x46: {  	_ =	shalt  }
0x47: {  	_ =	shalt  }
0x48: {  	_ =	shalt  }
0x49: {  	_ =	shalt  }
0x4a: {  	_ =	shalt  }
0x4b: {  	_ =	shalt  }
0x4c: {  	_ =	shalt  }
0x4d: {  	_ =	shalt  }
0x4e: {  	_ =	shalt  }
0x4f: {  	_ =	shalt  }
0x50: {  	_ =	shalt  }
0x51: {  	_ =	shalt  }
0x52: {  	_ =	shalt  }
0x53: {  	_ =	shalt  }
0x54: {  	_ =	shalt  }
0x55: {  	_ =	shalt  }
0x56: {  	_ =	shalt  }
0x57: {  	_ =	shalt  }
0x58: {  	_ =	shalt  }
0x59: {  	_ =	shalt  }
0x5a: {  	_ =	shalt  }
0x5b: {  	_ =	shalt  }
0x5c: {  	_ =	shalt  }
0x5d: {  	_ =	shalt  }
0x5e: {  	_ =	shalt  }
0x5f: {  	_ =	shalt  }
0x60: {  	_ =	shalt  }
0x61: {  	_ =	shalt  }
0x62: {  	_ =	shalt  }
0x63: {  	_ =	shalt  }
0x64: {  	_ =	shalt  }
0x65: {  	_ =	shalt  }
0x66: {  	_ =	shalt  }
0x67: {  	_ =	shalt  }
0x68: {  	_ =	shalt  }
0x69: {  	_ =	shalt  }
0x6a: {  	_ =	shalt  }
0x6b: {  	_ =	shalt  }
0x6c: {  	_ =	shalt  }
0x6d: {  	_ =	shalt  }
0x6e: {  	_ =	shalt  }
0x6f: {  	_ =	shalt  }
0x70: {  	_ =	shalt  }
0x71: {  	_ =	shalt  }
0x72: {  	_ =	shalt  }
0x73: {  	_ =	shalt  }
0x74: {  	_ =	shalt  }
0x75: {  	_ =	shalt  }
0x76: {  	_ =	shalt  }
0x77: {  	_ =	shalt  }
0x78: {  	_ =	shalt  }
0x79: {  	_ =	shalt  }
0x7a: {  	_ =	shalt  }
0x7b: {  	_ =	shalt  }
0x7c: {  	_ =	shalt  }
0x7d: {  	_ =	shalt  }
0x7e: {  	_ =	shalt  }
0x7f: {  	_ =	shalt  }
0x80: {  	_ =	shalt  }
0x81: {  	_ =	shalt  }
0x82: {  	_ =	shalt  }
0x83: {  	_ =	shalt  }
0x84: {  	_ =	shalt  }
0x85: {  	_ =	shalt  }
0x86: {  	_ =	shalt  }
0x87: {  	_ =	shalt  }
.Lfunc_end0:
.L_simem_size_0:
called_computation.2_lowered:
.L_overlay_start_0:
0x88: {  	s2 =	sld [smem:$0x3FD9]  }
0x89: {  	s3 =	sld [smem:$0x3FFE];
	_ =	sdelay $0x1  }
0x8a: {  	s1 =	srdreg.scid  }
0x8b: {  	s0 =	sand.u32 $0x1, s1  }
0x8c: {  	s16 =	sshll.u32 s0, $0xA;
	s2 =	sadd.s32 s3, s2  }
0x8d: {  	s2 =	sadd.s32 s2, s16  }
0x8e: {  	[smem:$0x3FC2] =	sst s2  }
0x8f: {  	_ = 	snop  }
0x90: {  	(tm) =	ssettm $0x1  }
0x91: {  	s17 =	sld [smem:$0x3FFB];
	_ =	sdelay $0x3  }
0x92: {  	_ =	strace s17  }
0x93: {  	s2 =	sld [smem:$0x3FFC];
	_ =	sdelay $0x3  }
0x94: {  	_ =	strace s2  }
0x95: {  	s2 =	sld [smem:$0x3FFD];
	_ =	sdelay $0x3  }
0x96: {  	_ =	strace s2  }
0x97: {  	_ =	strace $0x8FFFFFFF  }
0x98: {  	s18 =	sld [smem:$0x3FDB];
	_ =	sdelay $0x1  }
0x99: {  	s19 =	simm.s32 $_scs_section_size  }
0x9a: {  	s4 =	simm.s32 $_size__tile_overlayer_lowered;
	s5 =	simm.s32 $_tile_overlayer_lowered  }
0x9b: {  	s22 =	simm.s32 $0x1BFF;
	s21 =	sshll.u32 s5, $0x1;
	s2 =	sadd.s32 s19, s18  }
0x9c: {  	s6 =	simm.s32 $0x0;
	s20 =	sshll.u32 s4, $0x1;
	s4 =	sadd.s32 s21, s2  }
0x9d: {  	[timem:s6], [sflag:s22] =	dma.local [hbm:s4], s20  }
0x9e: {  	_ =	swait.ge [sflag:s22], s20  }
0x9f: {  	s3 =	ssub.s32 $0x0, s20;
	[sflag:s22] =	ssyncset.done $0x0  }
0xa0: {  	[sflag:s22] =	ssyncadd.s32 s3;
	_ =	sdelay $0x1  }
0xa1: {  	s23 =	simm.s32 $0x1B8B  }
0xa2: {  	_ =	swait.ge [sflag:s23], $0x1  }
0xa3: {  	[sflag:s23] =	ssyncset.done $0x0  }
0xa4: {  	s25 =	simm.s32 $0x1B8E;
	s24 =	sld [smem:$0x3FFE];
	[sflag:s23] =	ssyncadd.s32 $0xFFFFFFFF  }
0xa5: {  	s26 =	simm.s32 $execute0_lowered;
	[smem:$0x3FD2] =	sst s25  }
0xa6: {  	s4 =	sshll.u32 s26, $0x1;
	_ =	strace $0x8000004C;
	[dreg:$0x1] =	wrdreg $0xFFFFFFFF  }
0xa7: {  	s28 =	simm.s32 $_size_execute0_lowered;
	s2 =	sadd.s32 s2, s4;
	[dreg:$0x0] =	wrdreg $0x0  }
0xa8: {  	s4 =	sshll.u32 s28, $0x1;
	[dreg:$0x2] =	wrdreg s2  }
0xa9: {  	[dreg:$0x3] =	wrdreg s4  }
0xaa: {  	[dreg:$0x4] =	wrdreg $0xC0  }
0xab: {  	_ =	task [dreg:s6], $0x5FFFF  }
0xac: {  	[dreg:$0x1] =	wrdreg $0xFFFFFFFF  }
0xad: {  	[dreg:$0x0] =	wrdreg $0x60  }
0xae: {  	[dreg:$0x2] =	wrdreg s24  }
0xaf: {  	[dreg:$0x3] =	wrdreg $0x89F80  }
0xb0: {  	[dreg:$0x4] =	wrdreg $0x9  }
0xb1: {  	_ =	task.clear_ibuf [dreg:s6], $0x5FFFF;
	_ =	strace $0x9000004C  }
0xb2: {  	s29 =	simm.s32 $0x9;
	_ =	strace $0x8000004E  }
0xb3: {  	_ =	swait.ge [sflag:s29], $0x1  }
0xb4: {  	[sflag:s29] =	ssyncadd.s32 $0xFFFFFFFF  }
0xb5: {  	_ =	strace $0x9000004E  }
0xb6: {  	_ =	sfence  }
0xb7: {  	s30 =	sld [smem:$0x0];
	_ =	sdelay $0x2  }
0xb8: {  	s31 =	sshll.u32 s1, $0xD;
	s1 =	sshrl.u32 s1, $0x2  }
0xb9: {  	s3 =	sand.u32 $0x4000, s31;
	s1 =	sadd.s32 s1, s30  }
0xba: {  	s0 =	sor.u32 s3, s0;
	s1 =	sshll.u32 s1, $0x11  }
0xbb: {  	s0 =	sor.u32 s1, s0  }
0xbc: {  	s0 =	sadd.s32 $0x8F2B, s0  }
0xbd: {  	[sflag:s0] =	ssyncadd.remote.s32 $0x1  }
0xbe: {  	_ =	sfence.sel $0xFFFF  }
0xbf: {  	[dreg:$0x0] =	wrdreg $0xFFFFFFFF;
	(pc) =	sbr.abs _section_cstart, $3  }
0xc0: {  	[dreg:$0x1] =	wrdreg $0xFFFFFFFF  }
0xc1: {  	_ =	task.clear_ibuf [dreg:s6], $0x2FFFF;
	_ =	strace $0x9FFFFFFF  }
0xc2: {  	(tm) =	ssettm $0x7FFFFFFF  }
0xc3: {  	_ =	shalt  }
tec
execute0_lowered:
.L_overlay_start_1:
0x0: {  	(tag) =	ssettag $0x1  }
0x1: {  	s1 =	srdreg.scid;
	s6 =	rddreg [dreg:$0x0]  }
0x2: {  	s0 =	stileid.u32;
	s2 =	rddreg [dreg:$0x1];
	s3 =	simm.s32 $0x0  }
0x3: {  	s11 =	simm.s32 $0x8780;
	s12 =	simm.s32 $0x6000;
	s13 =	simm.s32 $0x2  }
0x4: {  	s14 =	simm.s32 $0x2800;
	s15 =	simm.s32 $0x80;
	s16 =	simm.s32 $0x5000  }
0x5: {  	s17 =	simm.s32 $0x1;
	s18 =	simm.s32 $0x5800;
	s19 =	simm.s32 $0x2780  }
0x6: {  	s21 =	simm.s32 $0x4F80;
	s4 =	sand.u32 $0x1, s1;
	s8 =	smul.u32 $0x2780, s0  }
0x7: {  	s29 =	sshll.u32 s0, $0x1;
	[smem:$0x7FF] =	sst s3;
	s7 =	smul.u32 $0x27800, s4  }
0x8: {  	s1 =	sor.u32 s4, s29;
	s31 =	ssub.s32 $0x2, s4;
	s4 =	smul.u32 $0x278, s0  }
0x9: {  	s22 =	simm.s32 $0x0;
	s5 =	smul.u32 $0x500, s1;
	s1 =	rddreg [dreg:$0x2]  }
0xa: {  	_ =	strace $0x8000004D;
	s10 =	sshrl.u32 s31, $0x1;
	s30 =	sadd.s32 s8, s7  }
0xb: {  	v0 =	vlaneseq.u32;
	s10 =	ssub.s32 s31, s10;
	s20 =	sadd.s32 $0x268, s4;
	s9 =	sadd.s32 s5, s6  }
0xc: {  	s8 =	sshrl.u32 s30, $0x3;
	s5 =	sadd.s32 $0x16800, s6;
	v1 =	vadd.s32 s20, v0;
	s20 =	simm.s32 $0x4F00  }
0xd: {  	s8 =	sadd.s32 s8, s6;
	s6 =	sadd.s32 $0xC800, s9;
	s7 =	sadd.s32 $0x2800, s9  }
0xe: {  	v2 =	vimm.f32 $0.0e+00;
	s9 =	smax.u32 s10, $0x1;
	s10 =	simm.s32 $0x278;
	s8 =	sadd.s32 $0x1B800, s8  }
.LBB2_1:
0xf: {  	s23 =	simm.s32 $0x40;
	v3 =	vadd.s32 s4, v0;
	s25 =	simm.s32 $0x0;
	s24 =	smov.u32 s4  }
.LBB2_2:
0x10: {  	p0 =	sne.s32 s23, $0x980  }
0x11: {  	[tilespmem:s25+$0x8780] =	vst v3;
	s24 =	sadd.s32 $0x10, s24;
	s25 =	smov.u32 s23;
	s23 =	sadd.s32 $0x40, s23  }
.Ltmp0:
0x12: {  	(pc) =	sbr.rel @p0 .LBB2_2-.Ltmp0, $2  }
0x13: {  	_ =	sdelay $0x2  }
0x14: {  	v3 =	vadd.s32 s24, v0;
	s25 =	sshra.s32 s25, $0x2  }
0x15: {  	[tilespmem:s25+$0x8780] =	vst v3  }
0x16: {  	s23 =	simm.s32 $0x40;
	s24 =	simm.s32 $0x0;
	[tilespmem:$0x89E8] =	vst v1  }
.LBB2_4:
0x17: {  	p0 =	sne.s32 s23, $0x9DC0;
	[tilespmem:s24+$0x6000] =	vst v2;
	s24 =	smov.u32 s23;
	s23 =	sadd.s32 $0x40, s23  }
.Ltmp1:
0x18: {  	(pc) =	sbr.rel @p0 .LBB2_4-.Ltmp1, $2  }
0x19: {  	_ =	sdelay $0x2  }
0x1a: {  	s24 =	sshra.s32 s24, $0x2  }
0x1b: {  	[tilespmem:s24+$0x6000] =	vst v2  }
0x1c: {  	[spmem:s2] =	stream.indirect.scatter [tilespmem:s12], [sflag:$0x2], $0x10, s11, s10, $0xb8;
	[tilespmem:$0xB178] =	vst v63  }
0x1d: {  	_ =	swait.ge [sflag:s13], $0x2780  }
0x1e: {  	[sflag:s13] =	ssyncset.done $0x0  }
0x1f: {  	s23 =	simm.s32 $0x0;
	[sflag:s13] =	ssyncadd.s32 $0xFFFFD880  }
0x20: {  	[tilespmem:s23], [sflag:$0x2] =	stream.linear.gather [hbm4b:s6+s23], $0x2800, $0x38;
	[tilespmem:$0xB178] =	vst v63  }
0x21: {  	_ =	swait.ge [sflag:s13], $0x2800  }
0x22: {  	[sflag:s13] =	ssyncset.done $0x0  }
0x23: {  	[sflag:s13] =	ssyncadd.s32 $0xFFFFD800  }
0x24: {  	[tilespmem:s14], [sflag:$0x2] =	stream.linear.gather [hbm4b:s7+s23], $0x2800, $0x38;
	[tilespmem:$0xB178] =	vst v63  }
0x25: {  	_ =	swait.ge [sflag:s13], $0x2800  }
0x26: {  	[sflag:s13] =	ssyncset.done $0x0  }
0x27: {  	[sflag:s13] =	ssyncadd.s32 $0xFFFFD800  }
0x28: {  	[bflag:$0x0] =	sbarrier.arrive $0xFFFF  }
0x29: {  	[tilespmem:s16], [sflag:$0x1] =	stream.indirect.gather [hbm4b:s5+s15], $0x10, s23, s15, $0xb8;
	[tilespmem:$0xB178] =	vst v63  }
0x2a: {  	_ =	swait.ge [sflag:s17], $0x800  }
0x2b: {  	[sflag:s17] =	ssyncset.done $0x0  }
0x2c: {  	s28 =	simm.s32 $0x80;
	[sflag:s17] =	ssyncadd.s32 $0xFFFFF800  }
0x2d: {  	[tilespmem:s18], [sflag:$0x1] =	stream.indirect.gather [hbm4b:s5+s15], $0x10, s28, s15, $0xb8;
	[tilespmem:$0xB178] =	vst v63  }
0x2e: {  	s29 =	simm.s32 $0x2800  }
0x2f: {  	[spmem:s2] =	stream.indirect.scatter.add.f32 [tilespmem:s16], [sflag:$0x2], $0x10, s29, s15, $0xb8;
	[tilespmem:$0xB178] =	vst v63  }
0x30: {  	_ =	swait.ge [sflag:s13], $0x800  }
0x31: {  	[sflag:s13] =	ssyncset.done $0x0  }
0x32: {  	[sflag:s13] =	ssyncadd.s32 $0xFFFFF800  }
0x33: {  	_ =	swait.ge [sflag:s17], $0x800  }
0x34: {  	[sflag:s17] =	ssyncset.done $0x0  }
0x35: {  	s30 =	simm.s32 $0x100;
	[sflag:s17] =	ssyncadd.s32 $0xFFFFF800  }
0x36: {  	[tilespmem:s16], [sflag:$0x1] =	stream.indirect.gather [hbm4b:s5+s15], $0x10, s30, s15, $0xb8;
	[tilespmem:$0xB178] =	vst v63  }
0x37: {  	s31 =	simm.s32 $0x2880  }
0x38: {  	[spmem:s2] =	stream.indirect.scatter.add.f32 [tilespmem:s18], [sflag:$0x2], $0x10, s31, s15, $0xb8;
	[tilespmem:$0xB178] =	vst v63  }
0x39: {  	_ =	swait.ge [sflag:s13], $0x800  }
0x3a: {  	s23 =	simm.s32 $0x400;
	[sflag:s13] =	ssyncset.done $0x0  }
.LBB2_6:
0x3b: {  	p0 =	sne.s32 s23, $0x9800  }
0x3c: {  	[sflag:s13] =	ssyncadd.s32 $0xFFFFF800;
	s24 =	smov.u32 s23;
	s23 =	sadd.s32 $0x400, s23  }
0x3d: {  	_ = 	snop  }
0x3e: {  	_ =	swait.ge [sflag:s17], $0x800  }
0x3f: {  	s24 =	sshra.s32 s24, $0x2;
	[sflag:s17] =	ssyncset.done $0x0  }
0x40: {  	s25 =	sadd.s32 $0x80, s24;
	[sflag:s17] =	ssyncadd.s32 $0xFFFFF800  }
0x41: {  	[tilespmem:s18], [sflag:$0x1] =	stream.indirect.gather [hbm4b:s5+s15], $0x10, s25, s15, $0xb8;
	[tilespmem:$0xB178] =	vst v63  }
0x42: {  	s25 =	sadd.s32 $0x2800, s24  }
0x43: {  	[spmem:s2] =	stream.indirect.scatter.add.f32 [tilespmem:s16], [sflag:$0x2], $0x10, s25, s15, $0xb8;
	[tilespmem:$0xB178] =	vst v63  }
0x44: {  	_ =	swait.ge [sflag:s13], $0x800  }
0x45: {  	[sflag:s13] =	ssyncset.done $0x0  }
0x46: {  	[sflag:s13] =	ssyncadd.s32 $0xFFFFF800  }
0x47: {  	_ =	swait.ge [sflag:s17], $0x800  }
0x48: {  	[sflag:s17] =	ssyncset.done $0x0  }
0x49: {  	s25 =	sadd.s32 $0x100, s24;
	[sflag:s17] =	ssyncadd.s32 $0xFFFFF800  }
0x4a: {  	[tilespmem:s16], [sflag:$0x1] =	stream.indirect.gather [hbm4b:s5+s15], $0x10, s25, s15, $0xb8;
	[tilespmem:$0xB178] =	vst v63  }
.Ltmp2:
0x4b: {  	_ = 	snop;
	(pc) =	sbr.rel @p0 .LBB2_6-.Ltmp2, $4  }
0x4c: {  	s24 =	sadd.s32 $0x2880, s24  }
0x4d: {  	[spmem:s2] =	stream.indirect.scatter.add.f32 [tilespmem:s18], [sflag:$0x2], $0x10, s24, s15, $0xb8;
	[tilespmem:$0xB178] =	vst v63  }
0x4e: {  	_ =	swait.ge [sflag:s13], $0x800  }
0x4f: {  	[sflag:s13] =	ssyncset.done $0x0  }
0x50: {  	[sflag:s13] =	ssyncadd.s32 $0xFFFFF800  }
0x51: {  	_ =	swait.ge [sflag:s17], $0x800  }
0x52: {  	[sflag:s17] =	ssyncset.done $0x0  }
0x53: {  	[sflag:s17] =	ssyncadd.s32 $0xFFFFF800  }
0x54: {  	[tilespmem:s18], [sflag:$0x1] =	stream.indirect.gather [hbm4b:s5+s15], $0x10, s19, s15, $0xb8;
	[tilespmem:$0xB178] =	vst v63  }
0x55: {  	_ = 	snop  }
0x56: {  	[spmem:s2] =	stream.indirect.scatter.add.f32 [tilespmem:s16], [sflag:$0x2], $0x10, s20, s15, $0xb8;
	[tilespmem:$0xB178] =	vst v63  }
0x57: {  	_ =	swait.ge [sflag:s13], $0x800  }
0x58: {  	[sflag:s13] =	ssyncset.done $0x0  }
0x59: {  	[sflag:s13] =	ssyncadd.s32 $0xFFFFF800  }
0x5a: {  	_ =	swait.ge [sflag:s17], $0x800  }
0x5b: {  	[sflag:s17] =	ssyncset.done $0x0  }
0x5c: {  	[sflag:s17] =	ssyncadd.s32 $0xFFFFF800  }
0x5d: {  	[tilespmem:s16], [sflag:$0x1] =	stream.indirect.gather [hbm4b:s5+s15], $0x10, s3, s15, $0xb8;
	[tilespmem:$0xB178] =	vst v63  }
0x5e: {  	_ = 	snop  }
0x5f: {  	[spmem:s2] =	stream.indirect.scatter.add.f32 [tilespmem:s18], [sflag:$0x2], $0x10, s21, s15, $0xb8;
	[tilespmem:$0xB178] =	vst v63  }
0x60: {  	_ =	swait.ge [sflag:s13], $0x800  }
0x61: {  	[sflag:s13] =	ssyncset.done $0x0  }
0x62: {  	[sflag:s13] =	ssyncadd.s32 $0xFFFFF800  }
0x63: {  	_ =	swait.ge [sflag:s17], $0x800  }
0x64: {  	[sflag:s17] =	ssyncset.done $0x0  }
0x65: {  	[sflag:s17] =	ssyncadd.s32 $0xFFFFF800  }
0x66: {  	[bflag:$0x0] =	sbarrier.arrive $0xFFFF  }
0x67: {  	[tilespmem:s12], [sflag:$0x2] =	stream.indirect.gather [spmem:s2], $0x10, s11, s10, $0xb8;
	[tilespmem:$0xB178] =	vst v63  }
0x68: {  	s22 =	sadd.s32 $0x1, s22;
	_ =	swait.ge [sflag:s13], $0x2780  }
0x69: {  	p0 =	sne.s32 s22, s9;
	[sflag:s13] =	ssyncset.done $0x0  }
.Ltmp3:
0x6a: {  	[sflag:s13] =	ssyncadd.s32 $0xFFFFD880;
	(pc) =	sbr.rel @p0 .LBB2_1-.Ltmp3, $4  }
0x6b: {  	[hbm4b:s8+s3] =	stream.linear.scatter [tilespmem:s12], [sflag:$0x2], $0x2780, $0x38;
	[tilespmem:$0xB178] =	vst v63  }
0x6c: {  	_ =	swait.ge [sflag:s13], $0x2780  }
0x6d: {  	[sflag:s13] =	ssyncset.done $0x0  }
0x6e: {  	[sflag:s13] =	ssyncadd.s32 $0xFFFFD880  }
0x6f: {  	_ =	sfence.sel $0x180000  }
0x70: {  	[bflag:$0x0] =	sbarrier.arrive $0xFFFF  }
0x71: {  	p0 =	sne.s32 s0, $0x0;
	_ =	strace $0x9000004D  }
0x72: {  	s0 =	sadd.s32 @!p0 $0x100000, s1;
	[bflag:$0x2] =	sbarrier.arrive $0xFFFF  }
0x73: {  	[sflag:s0] =	ssyncadd.tile.s32 @!p0 $0x1;
	_ =	shalt  }
.Lfunc_end2:
_tile_overlayer_lowered:
.L_overlay_start_2:
0x74: {  	(tag) =	ssettag $0x2  }
0x75: {  	s0 =	rddreg [dreg:$0x0];
	s2 =	stileid.u32  }
0x76: {  	s1 =	rddreg [dreg:$0x1];
	p0 =	sne.s32 s2, $0x0  }
0x77: {  	s3 =	rddreg [dreg:$0x2];
	[bflag:$0x3] =	sbarrier.arrive $0xFFFF;
	s2 =	simm.s32 @!p0 $0x1C02  }
0x78: {  	[timem:s3], [sflag:s2] =	dma.local @!p0 [hbm:s0], s1  }
0x79: {  	s0 =	simm.s32 @!p0 $0x2  }
0x7a: {  	_ =	swait.ge @!p0 [sflag:s0], s1  }
0x7b: {  	s1 =	ssub.s32 @!p0 $0x0, s1;
	[sflag:s0] =	ssyncset.done @!p0 $0x0  }
0x7c: {  	[sflag:s0] =	ssyncadd.s32 @!p0 s1  }
0x7d: {  	[bflag:$0x3] =	sbarrier.arrive $0xFFFF  }
0x7e: {  	_ =	shalt  }

// kernel: kernel.8.cloned.1.call-start
scs
__scs_entry_jumppad:
0x0: {  	(pc) =	sbr.rel $0x88, $3  }
0x1: {  	(tag) =	ssettag $0x0;
	lr =	simm.s32 $0x1  }
0x2: {  	[smem:$0x3F9B] =	sst lr;
	_ =	strace $0xD0000000  }
0x3: {  	_ = 	snop  }
0x4: {  	_ = 	snop  }
0x5: {  	_ = 	snop  }
0x6: {  	_ = 	snop  }
0x7: {  	_ = 	snop  }
__scs_overlays_trampoline_lowered:
0x8: {  	[smem:$0x3FAA] =	sst s0  }
0x9: {  	[smem:$0x3FAB] =	sst s1  }
0xa: {  	[smem:$0x3FAC] =	sst s2  }
0xb: {  	[smem:$0x3FAD] =	sst s3  }
0xc: {  	[smem:$0x3FAE] =	sst s4  }
0xd: {  	[smem:$0x3FAF] =	sst s5  }
0xe: {  	[smem:$0x3FB0] =	sst s6  }
0xf: {  	[smem:$0x3FB1] =	sst s7  }
0x10: {  	[smem:$0x3FB2] =	sst s8  }
0x11: {  	[smem:$0x3FB3] =	sst s9;
	s0 =	simm.s32 @!p0 $0x0  }
0x12: {  	s1 =	sld [smem:$0x3F99];
	s0 =	simm.s32 @p0 $0x1  }
0x13: {  	[smem:$0x3FB4] =	sst s0;
	s0 =	simm.s32 @!p1 $0x0  }
0x14: {  	s2 =	sld [smem:$0x3F98];
	s0 =	simm.s32 @p1 $0x1  }
0x15: {  	[smem:$0x3FB5] =	sst s0;
	s0 =	simm.s32 @!p2 $0x0  }
0x16: {  	s3 =	sld [smem:$0x3FDB];
	s0 =	simm.s32 @p2 $0x1  }
0x17: {  	s4 =	simm.s32 $0x1BF5;
	[smem:$0x3FB7] =	sst s0  }
0x18: {  	s0 =	sld [smem:$0x3F9A];
	_ =	swait.ge [sflag:s4], $0x0  }
0x19: {  	s7 =	sld [smem:$0x3F9B]  }
0x1a: {  	s8 =	sadd.s32 $0xFFFFE003, lr  }
0x1b: {  	s9 =	sadd.s32 $0xFFFFFEF7, lr;
	s5 =	simm.s32 $0xFFFFFFFF;
	p2 =	slt.u32 s8, $0xFFFFF086  }
0x1c: {  	p1 =	slt.u32 s9, $0xF7A;
	s5 =	simm.s32 @!p2 $0x0  }
0x1d: {  	s5 =	simm.s32 @p1 $0x1;
	p0 =	seq.s32 s7, s2  }
0x1e: {  	s7 =	smul.u32 @!p0 $0xF7A, s2;
	p2 =	seq.s32 @!p0 s5, $0x0  }
0x1f: {  	s9 =	smul.u32 $0xF7A, s1;
	s8 =	simm.s32 @!p0 $0x1BF5;
	p2 =	por !p2, p0  }
0x20: {  	[sflag:s8] =	ssyncset.s32 @!p0 $0xFFFFF086;
	s6 =	sadd.s32 @!p0 s3, s7;
	s7 =	simm.s32 @!p0 $0x108  }
0x21: {  	s3 =	sadd.s32 s3, s9;
	s6 =	sadd.s32 @!p0 $0x88, s6;
	s7 =	simm.s32 @p2 $0x1082  }
0x22: {  	[simem:s7], [sflag:s8] =	dma.local @!p0 [hbm:s6], $0xF7A  }
0x23: {  	s9 =	sor.u32 $0xD0000000, s2;
	s6 =	simm.s32 $0x108;
	_ =	swait.ge @!p0 [sflag:s8], $0x0  }
0x24: {  	s3 =	sadd.s32 $0x88, s3;
	s6 =	simm.s32 @!p1 $0x1082;
	[sflag:s4] =	ssyncset.s32 $0xFFFFF086  }
0x25: {  	[simem:s6], [sflag:s4] =	dma.local [hbm:s3], $0xF7A  }
0x26: {  	[smem:$0x3F9B] =	sst s1;
	(tag) =	ssettag s2;
	_ =	strace s9  }
0x27: {  	s1 =	sld [smem:$0x3FAB]  }
0x28: {  	s2 =	sld [smem:$0x3FAC]  }
0x29: {  	s4 =	sld [smem:$0x3FAE]  }
0x2a: {  	p0 =	seq.s32 s5, $0x0;
	s5 =	sld [smem:$0x3FAF]  }
0x2b: {  	s6 =	sld [smem:$0x3FB0]  }
0x2c: {  	s7 =	sld [smem:$0x3FB1]  }
0x2d: {  	s3 =	simm.s32 $0x108;
	s8 =	sld [smem:$0x3FB2]  }
0x2e: {  	s3 =	simm.s32 @!p0 $0x1082;
	s9 =	sld [smem:$0x3FB3]  }
0x2f: {  	lr =	sadd.s32 s0, s3;
	s0 =	sld [smem:$0x3FAA]  }
0x30: {  	s3 =	sld [smem:$0x3FAD]  }
0x31: {  	[smem:$0x3FB6] =	sst s10  }
0x32: {  	s10 =	sld [smem:$0x3FB4];
	_ =	sdelay $0x3  }
0x33: {  	p0 =	seq.s32 s10, $0x1;
	s10 =	sld [smem:$0x3FB6];
	_ =	sdelay $0x3  }
0x34: {  	[smem:$0x3FB6] =	sst s10  }
0x35: {  	s10 =	sld [smem:$0x3FB5];
	_ =	sdelay $0x3  }
0x36: {  	p1 =	seq.s32 s10, $0x1;
	s10 =	sld [smem:$0x3FB6];
	_ =	sdelay $0x3  }
0x37: {  	[smem:$0x3FB6] =	sst s10  }
0x38: {  	s10 =	sld [smem:$0x3FB7]  }
0x39: {  	_ = 	snop;
	(pc) =	sbr.ind lr, $3  }
0x3a: {  	_ = 	snop  }
0x3b: {  	_ = 	snop  }
0x3c: {  	p2 =	seq.s32 s10, $0x1;
	s10 =	sld [smem:$0x3FB6]  }
0x3d: {  	_ =	shalt  }
0x3e: {  	_ =	shalt  }
0x3f: {  	_ =	shalt  }
0x40: {  	_ =	shalt  }
0x41: {  	_ =	shalt  }
0x42: {  	_ =	shalt  }
0x43: {  	_ =	shalt  }
0x44: {  	_ =	shalt  }
0x45: {  	_ =	shalt  }
0x46: {  	_ =	shalt  }
0x47: {  	_ =	shalt  }
0x48: {  	_ =	shalt  }
0x49: {  	_ =	shalt  }
0x4a: {  	_ =	shalt  }
0x4b: {  	_ =	shalt  }
0x4c: {  	_ =	shalt  }
0x4d: {  	_ =	shalt  }
0x4e: {  	_ =	shalt  }
0x4f: {  	_ =	shalt  }
0x50: {  	_ =	shalt  }
0x51: {  	_ =	shalt  }
0x52: {  	_ =	shalt  }
0x53: {  	_ =	shalt  }
0x54: {  	_ =	shalt  }
0x55: {  	_ =	shalt  }
0x56: {  	_ =	shalt  }
0x57: {  	_ =	shalt  }
0x58: {  	_ =	shalt  }
0x59: {  	_ =	shalt  }
0x5a: {  	_ =	shalt  }
0x5b: {  	_ =	shalt  }
0x5c: {  	_ =	shalt  }
0x5d: {  	_ =	shalt  }
0x5e: {  	_ =	shalt  }
0x5f: {  	_ =	shalt  }
0x60: {  	_ =	shalt  }
0x61: {  	_ =	shalt  }
0x62: {  	_ =	shalt  }
0x63: {  	_ =	shalt  }
0x64: {  	_ =	shalt  }
0x65: {  	_ =	shalt  }
0x66: {  	_ =	shalt  }
0x67: {  	_ =	shalt  }
0x68: {  	_ =	shalt  }
0x69: {  	_ =	shalt  }
0x6a: {  	_ =	shalt  }
0x6b: {  	_ =	shalt  }
0x6c: {  	_ =	shalt  }
0x6d: {  	_ =	shalt  }
0x6e: {  	_ =	shalt  }
0x6f: {  	_ =	shalt  }
0x70: {  	_ =	shalt  }
0x71: {  	_ =	shalt  }
0x72: {  	_ =	shalt  }
0x73: {  	_ =	shalt  }
0x74: {  	_ =	shalt  }
0x75: {  	_ =	shalt  }
0x76: {  	_ =	shalt  }
0x77: {  	_ =	shalt  }
0x78: {  	_ =	shalt  }
0x79: {  	_ =	shalt  }
0x7a: {  	_ =	shalt  }
0x7b: {  	_ =	shalt  }
0x7c: {  	_ =	shalt  }
0x7d: {  	_ =	shalt  }
0x7e: {  	_ =	shalt  }
0x7f: {  	_ =	shalt  }
0x80: {  	_ =	shalt  }
0x81: {  	_ =	shalt  }
0x82: {  	_ =	shalt  }
0x83: {  	_ =	shalt  }
0x84: {  	_ =	shalt  }
0x85: {  	_ =	shalt  }
0x86: {  	_ =	shalt  }
0x87: {  	_ =	shalt  }
.Lfunc_end0:
.L_simem_size_0:
called_computation_lowered:
.L_overlay_start_0:
0x88: {  	s2 =	sld [smem:$0x3FD9]  }
0x89: {  	s3 =	sld [smem:$0x3FFE];
	_ =	sdelay $0x1  }
0x8a: {  	s1 =	srdreg.scid  }
0x8b: {  	s0 =	sand.u32 $0x1, s1  }
0x8c: {  	s17 =	sshll.u32 s0, $0xA;
	s2 =	sadd.s32 s3, s2  }
0x8d: {  	s2 =	sadd.s32 s2, s17  }
0x8e: {  	[smem:$0x3FC2] =	sst s2  }
0x8f: {  	_ = 	snop  }
0x90: {  	s2 =	sld [smem:$0x3FD0];
	(tm) =	ssettm $0x1  }
0x91: {  	s18 =	sld [smem:$0x3FFB];
	_ =	sdelay $0x3  }
0x92: {  	_ =	strace s18  }
0x93: {  	s3 =	sld [smem:$0x3FFC];
	_ =	sdelay $0x3  }
0x94: {  	_ =	strace s3  }
0x95: {  	s3 =	sld [smem:$0x3FFD];
	_ =	sdelay $0x3  }
0x96: {  	_ =	strace s3  }
0x97: {  	_ =	strace $0x8FFFFFFF  }
0x98: {  	s19 =	sld [smem:$0x3FDB];
	_ =	sdelay $0x1  }
0x99: {  	s4 =	simm.s32 $_scs_section_size  }
0x9a: {  	s5 =	simm.s32 $_size__tile_overlayer_lowered;
	s6 =	simm.s32 $_tile_overlayer_lowered  }
0x9b: {  	s22 =	simm.s32 $0x1BFF;
	s21 =	sshll.u32 s6, $0x1;
	s3 =	sadd.s32 s4, s19  }
0x9c: {  	s7 =	simm.s32 $0x0;
	s20 =	sshll.u32 s5, $0x1;
	s5 =	sadd.s32 s21, s3  }
0x9d: {  	[timem:s7], [sflag:s22] =	dma.local [hbm:s5], s20  }
0x9e: {  	_ =	swait.ge [sflag:s22], s20  }
0x9f: {  	s4 =	ssub.s32 $0x0, s20;
	[sflag:s22] =	ssyncset.done $0x0  }
0xa0: {  	[sflag:s22] =	ssyncadd.s32 s4;
	_ =	sdelay $0x1  }
0xa1: {  	s23 =	simm.s32 $0x1B8B  }
0xa2: {  	_ =	swait.ge [sflag:s23], $0x1  }
0xa3: {  	[sflag:s23] =	ssyncset.done $0x0  }
0xa4: {  	s25 =	simm.s32 $0x1B8E;
	s24 =	sld [smem:$0x3FFE];
	[sflag:s23] =	ssyncadd.s32 $0xFFFFFFFF  }
0xa5: {  	s26 =	simm.s32 $execute0_lowered;
	[smem:$0x3FD2] =	sst s25  }
0xa6: {  	s5 =	sshll.u32 s26, $0x1;
	_ =	strace $0x80000046;
	[dreg:$0x1] =	wrdreg $0xFFFFFFFF  }
0xa7: {  	s28 =	simm.s32 $_size_execute0_lowered;
	s3 =	sadd.s32 s3, s5;
	[dreg:$0x0] =	wrdreg $0x0  }
0xa8: {  	s5 =	sshll.u32 s28, $0x1;
	[dreg:$0x2] =	wrdreg s3  }
0xa9: {  	[dreg:$0x3] =	wrdreg s5  }
0xaa: {  	[dreg:$0x4] =	wrdreg $0xC0  }
0xab: {  	_ =	task [dreg:s7], $0x5FFFF  }
0xac: {  	[dreg:$0x1] =	wrdreg $0xFFFFFFFF  }
0xad: {  	[dreg:$0x0] =	wrdreg $0x60  }
0xae: {  	[dreg:$0x2] =	wrdreg s24  }
0xaf: {  	[dreg:$0x3] =	wrdreg s2  }
0xb0: {  	[dreg:$0x4] =	wrdreg $0x59F80  }
0xb1: {  	[dreg:$0x5] =	wrdreg $0x9  }
0xb2: {  	_ =	task.clear_ibuf [dreg:s7], $0x6FFFF;
	_ =	strace $0x90000046  }
0xb3: {  	s29 =	simm.s32 $0x9;
	_ =	strace $0x80000048  }
0xb4: {  	_ =	swait.ge [sflag:s29], $0x1  }
0xb5: {  	[sflag:s29] =	ssyncadd.s32 $0xFFFFFFFF  }
0xb6: {  	_ =	strace $0x90000048  }
0xb7: {  	_ =	sfence  }
0xb8: {  	s30 =	sld [smem:$0x0];
	_ =	sdelay $0x2  }
0xb9: {  	s31 =	sshll.u32 s1, $0xD;
	s1 =	sshrl.u32 s1, $0x2  }
0xba: {  	s3 =	sand.u32 $0x4000, s31;
	s1 =	sadd.s32 s1, s30  }
0xbb: {  	s0 =	sor.u32 s3, s0;
	s1 =	sshll.u32 s1, $0x11  }
0xbc: {  	s0 =	sor.u32 s1, s0  }
0xbd: {  	s0 =	sadd.s32 $0x8F2B, s0  }
0xbe: {  	[sflag:s0] =	ssyncadd.remote.s32 $0x1  }
0xbf: {  	_ =	sfence.sel $0xFFFF  }
0xc0: {  	[dreg:$0x0] =	wrdreg $0xFFFFFFFF;
	(pc) =	sbr.abs _section_cstart, $3  }
0xc1: {  	[dreg:$0x1] =	wrdreg $0xFFFFFFFF  }
0xc2: {  	_ =	task.clear_ibuf [dreg:s7], $0x2FFFF;
	_ =	strace $0x9FFFFFFF  }
0xc3: {  	(tm) =	ssettm $0x7FFFFFFF  }
tec
execute0_lowered:
.L_overlay_start_1:
0x0: {  	(tag) =	ssettag $0x1  }
0x1: {  	s5 =	rddreg [dreg:$0x0]  }
0x2: {  	s1 =	srdreg.scid;
	s6 =	rddreg [dreg:$0x1]  }
0x3: {  	s0 =	stileid.u32;
	s2 =	rddreg [dreg:$0x2];
	s3 =	simm.s32 $0x0  }
0x4: {  	s13 =	simm.s32 $0x2800;
	s4 =	sand.u32 $0x1, s1;
	s10 =	smul.u32 $0x2780, s0  }
0x5: {  	s14 =	simm.s32 $0x0;
	s30 =	sshll.u32 s0, $0x1;
	s8 =	smul.u32 $0x27800, s4  }
0x6: {  	s1 =	sor.u32 s4, s30;
	s9 =	ssub.s32 $0x2, s4;
	s4 =	smul.u32 $0x278, s0  }
0x7: {  	[smem:$0x7FF] =	sst s3;
	s7 =	smul.u32 $0x500, s1;
	s11 =	sshrl.u32 s9, $0x1  }
0x8: {  	s1 =	rddreg [dreg:$0x3];
	_ =	strace $0x80000047;
	s31 =	ssub.s32 s9, s11  }
0x9: {  	s8 =	sadd.s32 s10, s8;
	s12 =	sadd.s32 $0x268, s4;
	s9 =	simm.s32 $0x5780  }
0xa: {  	v0 =	vlaneseq.u32;
	s10 =	simm.s32 $0x3000;
	s11 =	simm.s32 $0x1;
	s5 =	sadd.s32 s7, s5  }
0xb: {  	s8 =	sshrl.u32 s8, $0x3;
	s7 =	smax.u32 s31, $0x1;
	v1 =	vadd.s32 s12, v0;
	s12 =	simm.s32 $0x80  }
0xc: {  	v2 =	vimm.f32 $1.000000000e+00;
	v3 =	vimm.f32 $0.0e+00;
	s5 =	sadd.s32 $0x2800, s5;
	s6 =	sadd.s32 s6, s8;
	s8 =	simm.s32 $0x278  }
.LBB2_1:
0xd: {  	s15 =	simm.s32 $0x0  }
.LBB2_2:
0xe: {  	p0 =	sne.s32 s15, $0x1FC0  }
.Ltmp0:
0xf: {  	_ = 	snop;
	(pc) =	sbr.rel @p0 .LBB2_2-.Ltmp0, $3  }
0x10: {  	_ =	sdelay $0x1  }
0x11: {  	s16 =	sshra.s32 s15, $0x2  }
0x12: {  	s15 =	sadd.s32 $0x40, s15;
	[tilespmem:s16+$0x2800] =	vst v2  }
0x13: {  	s15 =	simm.s32 $0x40;
	v4 =	vadd.s32 s4, v0;
	s17 =	simm.s32 $0x0;
	s16 =	smov.u32 s4  }
.LBB2_4:
0x14: {  	p0 =	sne.s32 s15, $0x980  }
0x15: {  	[tilespmem:s17+$0x5780] =	vst v4;
	s16 =	sadd.s32 $0x10, s16;
	s17 =	smov.u32 s15;
	s15 =	sadd.s32 $0x40, s15  }
.Ltmp1:
0x16: {  	(pc) =	sbr.rel @p0 .LBB2_4-.Ltmp1, $2  }
0x17: {  	_ =	sdelay $0x2  }
0x18: {  	v4 =	vadd.s32 s16, v0;
	s17 =	sshra.s32 s17, $0x2  }
0x19: {  	[tilespmem:s17+$0x5780] =	vst v4  }
0x1a: {  	s15 =	simm.s32 $0x40;
	s16 =	simm.s32 $0x0;
	[tilespmem:$0x59E8] =	vst v1  }
.LBB2_6:
0x1b: {  	p0 =	sne.s32 s15, $0x9DC0;
	[tilespmem:s16+$0x3000] =	vst v3;
	s16 =	smov.u32 s15;
	s15 =	sadd.s32 $0x40, s15  }
.Ltmp2:
0x1c: {  	(pc) =	sbr.rel @p0 .LBB2_6-.Ltmp2, $2  }
0x1d: {  	_ =	sdelay $0x2  }
0x1e: {  	s16 =	sshra.s32 s16, $0x2  }
0x1f: {  	[tilespmem:s16+$0x3000] =	vst v3  }
0x20: {  	[spmem:s2] =	stream.indirect.scatter [tilespmem:s10], [sflag:$0x1], $0x10, s9, s8, $0xb8;
	[tilespmem:$0x8178] =	vst v63  }
0x21: {  	_ =	swait.ge [sflag:s11], $0x2780  }
0x22: {  	[sflag:s11] =	ssyncset.done $0x0  }
0x23: {  	s15 =	simm.s32 $0x0;
	[sflag:s11] =	ssyncadd.s32 $0xFFFFD880  }
0x24: {  	[tilespmem:s15], [sflag:$0x1] =	stream.linear.gather [hbm4b:s5+s15], $0x2800, $0x38;
	[tilespmem:$0x8178] =	vst v63  }
0x25: {  	_ =	swait.ge [sflag:s11], $0x2800  }
0x26: {  	[sflag:s11] =	ssyncset.done $0x0  }
0x27: {  	[sflag:s11] =	ssyncadd.s32 $0xFFFFD800  }
0x28: {  	s31 =	simm.s32 $0x0;
	[bflag:$0x0] =	sbarrier.arrive $0xFFFF  }
0x29: {  	[spmem:s2] =	stream.indirect.scatter.add.f32 [tilespmem:s13], [sflag:$0x1], $0x10, s31, s12, $0xb8;
	[tilespmem:$0x8178] =	vst v63  }
0x2a: {  	_ =	swait.ge [sflag:s11], $0x800  }
0x2b: {  	s15 =	simm.s32 $0x200;
	[sflag:s11] =	ssyncset.done $0x0  }
.LBB2_8:
0x2c: {  	s16 =	sshra.s32 s15, $0x2;
	[sflag:s11] =	ssyncadd.s32 $0xFFFFF800;
	p0 =	sne.s32 s15, $0x9E00  }
0x2d: {  	[spmem:s2] =	stream.indirect.scatter.add.f32 [tilespmem:s13], [sflag:$0x1], $0x10, s16, s12, $0xb8;
	[tilespmem:$0x8178] =	vst v63  }
.Ltmp3:
0x2e: {  	_ = 	snop;
	(pc) =	sbr.rel @p0 .LBB2_8-.Ltmp3, $4  }
0x2f: {  	_ = 	snop  }
0x30: {  	s15 =	sadd.s32 $0x200, s15  }
0x31: {  	_ =	swait.ge [sflag:s11], $0x800  }
0x32: {  	[sflag:s11] =	ssyncset.done $0x0  }
0x33: {  	[sflag:s11] =	ssyncadd.s32 $0xFFFFF800  }
0x34: {  	[bflag:$0x0] =	sbarrier.arrive $0xFFFF  }
0x35: {  	[tilespmem:s10], [sflag:$0x1] =	stream.indirect.gather [spmem:s2], $0x10, s9, s8, $0xb8;
	[tilespmem:$0x8178] =	vst v63  }
0x36: {  	s14 =	sadd.s32 $0x1, s14;
	_ =	swait.ge [sflag:s11], $0x2780  }
0x37: {  	p0 =	sne.s32 s14, s7;
	[sflag:s11] =	ssyncset.done $0x0  }
.Ltmp4:
0x38: {  	[sflag:s11] =	ssyncadd.s32 $0xFFFFD880;
	(pc) =	sbr.rel @p0 .LBB2_1-.Ltmp4, $4  }
0x39: {  	[hbm4b:s6+s3] =	stream.linear.scatter [tilespmem:s10], [sflag:$0x1], $0x2780, $0x38;
	[tilespmem:$0x8178] =	vst v63  }
0x3a: {  	_ =	swait.ge [sflag:s11], $0x2780  }
0x3b: {  	[sflag:s11] =	ssyncset.done $0x0  }
0x3c: {  	[sflag:s11] =	ssyncadd.s32 $0xFFFFD880  }
0x3d: {  	_ =	sfence.sel $0x180000  }
0x3e: {  	[bflag:$0x0] =	sbarrier.arrive $0xFFFF  }
0x3f: {  	p0 =	sne.s32 s0, $0x0;
	_ =	strace $0x90000047  }
0x40: {  	s0 =	sadd.s32 @!p0 $0x100000, s1;
	[bflag:$0x2] =	sbarrier.arrive $0xFFFF  }
0x41: {  	[sflag:s0] =	ssyncadd.tile.s32 @!p0 $0x1;
	_ =	shalt  }
.Lfunc_end2:
_tile_overlayer_lowered:
.L_overlay_start_2:
0x42: {  	(tag) =	ssettag $0x2  }
0x43: {  	s0 =	rddreg [dreg:$0x0];
	s2 =	stileid.u32  }
0x44: {  	s1 =	rddreg [dreg:$0x1];
	p0 =	sne.s32 s2, $0x0  }
0x45: {  	s3 =	rddreg [dreg:$0x2];
	[bflag:$0x3] =	sbarrier.arrive $0xFFFF;
	s2 =	simm.s32 @!p0 $0x1C01  }
0x46: {  	[timem:s3], [sflag:s2] =	dma.local @!p0 [hbm:s0], s1  }
0x47: {  	s0 =	simm.s32 @!p0 $0x1  }
0x48: {  	_ =	swait.ge @!p0 [sflag:s0], s1  }
0x49: {  	s1 =	ssub.s32 @!p0 $0x0, s1;
	[sflag:s0] =	ssyncset.done @!p0 $0x0  }
0x4a: {  	[sflag:s0] =	ssyncadd.s32 @!p0 s1  }
0x4b: {  	[bflag:$0x3] =	sbarrier.arrive $0xFFFF  }
0x4c: {  	_ =	shalt  }

</sc_bundles>
